<compile_context>
chip_gen: v7x
topology: tpu7x:2x2x1
jax: 0.10.2.dev20260603
libtpu: 0.0.44.dev20260713+nightly
codegen_flags: <defaults>
</compile_context>

<pallas_src>
import functools

import jax
import jax.numpy as jnp
from jax import lax
from jax.experimental import pallas as pl
from jax.experimental.pallas import tpu as pltpu
from jax.experimental.pallas import tpu_sc as plsc

N = 10000
E = 320000
DIN = 128
DIM = 64
DOUT = 10
G = 64

NC = 2
NS = 16
NW = NC * NS
PW = E // NW
C = 200
KC = PW // C
NBUF = 5
N_PAD = 10240
ROWS_PER_TILE = N_PAD // NS


@functools.lru_cache(maxsize=1)
def _make_seg_sum():
    mesh = plsc.VectorSubcoreMesh(core_axis_name="c", subcore_axis_name="s",
                                  num_cores=NC, num_subcores=NS)

    @functools.partial(
        pl.kernel,
        mesh=mesh,
        out_type=jax.ShapeDtypeStruct((NC, N_PAD, DIM), jnp.float32),
        scratch_types=[
            pltpu.VMEM((KC, C), jnp.int32),
            pltpu.VMEM((KC, C), jnp.int32),
        ]
        + [pltpu.VMEM((C, DIM), jnp.float32) for _ in range(NBUF)]
        + [pltpu.VMEM_SHARED((N_PAD, DIM), jnp.float32)]
        + [pltpu.SemaphoreType.DMA for _ in range(2 * NBUF)],
        compiler_params=pltpu.CompilerParams(use_tc_tiling_on_sc=False),
    )
    def seg_kernel(y_hbm, ei_hbm, zero_hbm, out_hbm, src_v, dst_v, *rest):
        rows = rest[:NBUF]
        acc = rest[NBUF]
        gsem = rest[NBUF + 1:NBUF + 1 + NBUF]
        ssem = rest[NBUF + 1 + NBUF:]
        c = lax.axis_index("c")
        s = lax.axis_index("s")
        w = s * NC + c
        r0 = s * ROWS_PER_TILE
        pltpu.sync_copy(zero_hbm.at[pl.ds(r0, ROWS_PER_TILE)],
                        acc.at[pl.ds(r0, ROWS_PER_TILE)])
        pltpu.sync_copy(ei_hbm.at[0, w], src_v)
        pltpu.sync_copy(ei_hbm.at[1, w], dst_v)
        plsc.subcore_barrier()

        def gather(j, b):
            pltpu.async_copy(y_hbm.at[src_v.at[j]], rows[b], gsem[b])

        def wait_gather(j, b):
            pltpu.make_async_copy(y_hbm.at[src_v.at[j]], rows[b],
                                  gsem[b]).wait()

        def scatter(j, b):
            pltpu.async_copy(rows[b], acc.at[dst_v.at[j]], ssem[b], add=True)

        def wait_scatter(j, b):
            pltpu.make_async_copy(rows[b], acc.at[dst_v.at[j]],
                                  ssem[b]).wait()

        gather(0, 0)
        gather(1, 1)

        def body(i, carry):
            j0 = NBUF * i
            for b in range(NBUF):
                j = j0 + b
                wait_gather(j, b)
                scatter(j, b)
                jp = j - (NBUF - 2)
                bp = (b + 2) % NBUF
                bn = (b + 2) % NBUF

                @pl.when(jp >= 0)
                def _():
                    wait_scatter(jp, bp)

                @pl.when(j + 2 < KC)
                def _():
                    gather(j + 2, bn)
            return carry

        lax.fori_loop(0, KC // NBUF, body, 0)
        for j in range(KC - (NBUF - 2), KC):
            wait_scatter(j, j % NBUF)
        plsc.subcore_barrier()
        pltpu.sync_copy(acc.at[pl.ds(r0, ROWS_PER_TILE)],
                        out_hbm.at[c, pl.ds(r0, ROWS_PER_TILE)])

    return seg_kernel


H = N // 2
D2 = 2 * DIM
BN = 1000
NB = H // BN
NPH = N_PAD // 2


def _mm_body(xlo_ref, xhi_ref, w_ref, o_ref):
    ylo = jnp.dot(xlo_ref[:], w_ref[:], preferred_element_type=jnp.float32)
    yhi = jnp.dot(xhi_ref[:], w_ref[:], preferred_element_type=jnp.float32)
    o_ref[:] = jnp.concatenate([ylo, yhi], axis=-1)


def _tc_in_matmul(x, W1a):
    return pl.pallas_call(
        _mm_body,
        grid=(NB,),
        in_specs=[
            pl.BlockSpec((BN, DIN), lambda i: (i, 0)),
            pl.BlockSpec((BN, DIN), lambda i: (i + H // BN, 0)),
            pl.BlockSpec((DIN, DIM), lambda i: (0, 0)),
        ],
        out_specs=pl.BlockSpec((BN, D2), lambda i: (i, 0)),
        out_shape=jax.ShapeDtypeStruct((H, D2), jnp.float32),
    )(x, x, W1a)


def _stage2_body(p0_ref, p1_ref, y_ref, b1a_ref, w1b_ref, b1b_ref,
                 sc1_ref, sh1_ref, w2a_ref, z_ref):
    pre = p0_ref[0] + p1_ref[0] + y_ref[:] + b1a_ref[:]
    a = jnp.maximum(pre, 0.0)
    t = jnp.dot(a, w1b_ref[:], preferred_element_type=jnp.float32) + b1b_ref[:]
    t = jnp.maximum(t, 0.0)
    h = t * sc1_ref[:] + sh1_ref[:]
    z_ref[:] = jnp.dot(h, w2a_ref[:], preferred_element_type=jnp.float32)


def _tc_stage2(pp, y1, b1a2, W1b_bd, b1b2, sc12, sh12, W2a_bd):
    vec = lambda: pl.BlockSpec((1, D2), lambda i: (0, 0))
    mat = lambda: pl.BlockSpec((D2, D2), lambda i: (0, 0))
    blk = lambda: pl.BlockSpec((BN, D2), lambda i: (i, 0))
    p0s = pl.BlockSpec((1, BN, D2), lambda i: (0, i, 0))
    p1s = pl.BlockSpec((1, BN, D2), lambda i: (1, i, 0))
    return pl.pallas_call(
        _stage2_body,
        grid=(NB,),
        in_specs=[p0s, p1s, blk(), vec(), mat(), vec(), vec(), vec(), mat()],
        out_specs=blk(),
        out_shape=jax.ShapeDtypeStruct((H, D2), jnp.float32),
    )(pp, pp, y1, b1a2, W1b_bd, b1b2, sc12, sh12, W2a_bd)


def _stage3_body(p0_ref, p1_ref, z_ref, b2a_ref, w2b_ref, b2b_ref,
                 sc2_ref, sh2_ref, blo_ref, bhi_ref, wf1_ref, bf1_ref,
                 wf2_ref, bf2_ref, out_ref, sums_ref, cnt_ref):
    i = pl.program_id(0)

    @pl.when(i == 0)
    def _():
        sums_ref[:] = jnp.zeros_like(sums_ref)
        cnt_ref[:] = jnp.zeros_like(cnt_ref)

    pre = p0_ref[0] + p1_ref[0] + z_ref[:] + b2a_ref[:]
    a = jnp.maximum(pre, 0.0)
    t = jnp.dot(a, w2b_ref[:], preferred_element_type=jnp.float32) + b2b_ref[:]
    t = jnp.maximum(t, 0.0)
    h2 = t * sc2_ref[:] + sh2_ref[:]
    h2lo = h2[:, :DIM]
    h2hi = h2[:, DIM:]

    iota = lax.broadcasted_iota(jnp.int32, (BN, G), 1)
    ohlo = (blo_ref[0, 0, :][:, None] == iota).astype(jnp.float32)
    ohhi = (bhi_ref[0, 0, :][:, None] == iota).astype(jnp.float32)
    cdim = (((0,), (0,)), ((), ()))
    sums_ref[:] += (
        lax.dot_general(ohlo, h2lo, cdim, preferred_element_type=jnp.float32)
        + lax.dot_general(ohhi, h2hi, cdim,
                          preferred_element_type=jnp.float32))
    ones = jnp.ones((BN, DIM), jnp.float32)
    cnt_ref[:] += (
        lax.dot_general(ohlo, ones, cdim, preferred_element_type=jnp.float32)
        + lax.dot_general(ohhi, ones, cdim,
                          preferred_element_type=jnp.float32))

    @pl.when(i == NB - 1)
    def _():
        pooled = sums_ref[:] / jnp.maximum(cnt_ref[:], 1.0)
        h3 = jnp.maximum(
            jnp.dot(pooled, wf1_ref[:], preferred_element_type=jnp.float32)
            + bf1_ref[:], 0.0)
        out_ref[:] = (jnp.dot(h3, wf2_ref[:],
                              preferred_element_type=jnp.float32)
                      + bf2_ref[:])


def _tc_stage3(pp, z, b2a2, W2b_bd, b2b2, sc22, sh22, batch3d,
               Wf1, bf1, Wf2, bf2):
    vec = lambda: pl.BlockSpec((1, D2), lambda i: (0, 0))
    mat = lambda: pl.BlockSpec((D2, D2), lambda i: (0, 0))
    blk = lambda: pl.BlockSpec((BN, D2), lambda i: (i, 0))
    p0s = pl.BlockSpec((1, BN, D2), lambda i: (0, i, 0))
    p1s = pl.BlockSpec((1, BN, D2), lambda i: (1, i, 0))
    return pl.pallas_call(
        _stage3_body,
        grid=(NB,),
        in_specs=[
            p0s, p1s, blk(), vec(), mat(), vec(), vec(), vec(),
            pl.BlockSpec((1, 1, BN), lambda i: (i, 0, 0)),
            pl.BlockSpec((1, 1, BN), lambda i: (i + H // BN, 0, 0)),
            pl.BlockSpec((DIM, DIM), lambda i: (0, 0)),
            pl.BlockSpec((1, DIM), lambda i: (0, 0)),
            pl.BlockSpec((DIM, DOUT), lambda i: (0, 0)),
            pl.BlockSpec((1, DOUT), lambda i: (0, 0)),
        ],
        out_specs=pl.BlockSpec((G, DOUT), lambda i: (0, 0)),
        out_shape=jax.ShapeDtypeStruct((G, DOUT), jnp.float32),
        scratch_shapes=[
            pltpu.VMEM((G, DIM), jnp.float32),
            pltpu.VMEM((G, DIM), jnp.float32),
        ],
    )(pp, pp, z, b2a2, W2b_bd, b2b2, sc22, sh22, batch3d, batch3d,
      Wf1, bf1, Wf2, bf2)


def _bd(W):
    Z = jnp.zeros((DIM, DIM), jnp.float32)
    return jnp.concatenate([
        jnp.concatenate([W, Z], axis=1),
        jnp.concatenate([Z, W], axis=1),
    ], axis=0)


def _t2(v):
    return jnp.tile(v.reshape(1, DIM), (1, 2))


def kernel(x, edge_index, batch, W1a, b1a, W1b, b1b, g1, be1, rm1, rv1,
           W2a, b2a, W2b, b2b, g2, be2, rm2, rv2, Wf1, bf1, Wf2, bf2):
    eip = jnp.where(edge_index < H, 2 * edge_index, 2 * (edge_index - H) + 1)
    ei4d = eip.reshape(2, NW, KC, C)
    zeros = jnp.zeros((N_PAD, DIM), jnp.float32)
    batch3d = batch.reshape(N // BN, 1, BN)

    sc1 = g1 / jnp.sqrt(rv1 + 1e-5)
    sh1 = be1 - rm1 * sc1
    sc2 = g2 / jnp.sqrt(rv2 + 1e-5)
    sh2 = be2 - rm2 * sc2

    seg_sum = _make_seg_sum()
    y1 = _tc_in_matmul(x, W1a)
    p = seg_sum(y1.reshape(N, DIM), ei4d, zeros)
    pp = p.reshape(NC, NPH, D2)
    z = _tc_stage2(pp, y1, _t2(b1a), _bd(W1b), _t2(b1b),
                   _t2(sc1), _t2(sh1), _bd(W2a))
    p2 = seg_sum(z.reshape(N, DIM), ei4d, zeros)
    pp2 = p2.reshape(NC, NPH, D2)
    out = _tc_stage3(pp2, z, _t2(b2a), _bd(W2b), _t2(b2b),
                     _t2(sc2), _t2(sh2), batch3d,
                     Wf1, bf1.reshape(1, DIM), Wf2, bf2.reshape(1, DOUT))
    return out

# --- scband reference (transcript-rebuilt; emitter-appended) ---
"""Pipeline reference for scband-ginnet-33930241638747 (READ-ONLY COPY).

The authoritative reference and input builder live on the scoring server;
editing this copy changes nothing except your own understanding.
"""

import jax, jax.numpy as jnp
import numpy as np

N = 10000
E = 320000
DIN = 128
DIM = 64
DOUT = 10
G = 64


def setup_inputs(seed: int = 0) -> dict:
    key = jax.random.key(seed)
    ks = jax.random.split(key, 24)
    x = jax.random.normal(ks[0], (N, DIN), dtype=jnp.float32)
    edge_index = jax.random.randint(ks[1], (2, E), 0, N, dtype=jnp.int32)
    batch = jnp.sort(jax.random.randint(ks[2], (N,), 0, G, dtype=jnp.int32))

    def lin_init(k, fan_in, fan_out):
        k1, k2 = jax.random.split(k)
        bound = 1.0 / np.sqrt(fan_in)
        W = jax.random.uniform(k1, (fan_in, fan_out), minval=-bound, maxval=bound, dtype=jnp.float32)
        b = jax.random.uniform(k2, (fan_out,), minval=-bound, maxval=bound, dtype=jnp.float32)
        return W, b

    W1a, b1a = lin_init(ks[3], DIN, DIM)
    W1b, b1b = lin_init(ks[4], DIM, DIM)
    W2a, b2a = lin_init(ks[5], DIM, DIM)
    W2b, b2b = lin_init(ks[6], DIM, DIM)
    Wf1, bf1 = lin_init(ks[7], DIM, DIM)
    Wf2, bf2 = lin_init(ks[8], DIM, DOUT)

    g1 = jnp.ones((DIM,), jnp.float32)
    be1 = jnp.zeros((DIM,), jnp.float32)
    rm1 = jax.random.normal(ks[9], (DIM,), dtype=jnp.float32) * 0.1
    rv1 = jnp.ones((DIM,), jnp.float32) + jax.random.uniform(ks[10], (DIM,), dtype=jnp.float32) * 0.1
    g2 = jnp.ones((DIM,), jnp.float32)
    be2 = jnp.zeros((DIM,), jnp.float32)
    rm2 = jax.random.normal(ks[11], (DIM,), dtype=jnp.float32) * 0.1
    rv2 = jnp.ones((DIM,), jnp.float32) + jax.random.uniform(ks[12], (DIM,), dtype=jnp.float32) * 0.1

    return {
        "x": x, "edge_index": edge_index, "batch": batch,
        "W1a": W1a, "b1a": b1a, "W1b": W1b, "b1b": b1b,
        "g1": g1, "be1": be1, "rm1": rm1, "rv1": rv1,
        "W2a": W2a, "b2a": b2a, "W2b": W2b, "b2b": b2b,
        "g2": g2, "be2": be2, "rm2": rm2, "rv2": rv2,
        "Wf1": Wf1, "bf1": bf1, "Wf2": Wf2, "bf2": bf2,
    }


def reference(x, edge_index, batch,
              W1a, b1a, W1b, b1b, g1, be1, rm1, rv1,
              W2a, b2a, W2b, b2b, g2, be2, rm2, rv2,
              Wf1, bf1, Wf2, bf2):
    src = edge_index[0]
    dst = edge_index[1]

    def bn(h, g, be, rm, rv):
        return (h - rm) / jnp.sqrt(rv + 1e-5) * g + be

    # GINConv 1: out = nn1((1+eps)*x + sum_{j->i} x_j), eps=0
    agg = jax.ops.segment_sum(x[src], dst, num_segments=N)
    h = agg + x
    h = jax.nn.relu(h @ W1a + b1a)
    h = h @ W1b + b1b
    h = jax.nn.relu(h)
    h = bn(h, g1, be1, rm1, rv1)

    # GINConv 2
    agg2 = jax.ops.segment_sum(h[src], dst, num_segments=N)
    h2 = agg2 + h
    h2 = jax.nn.relu(h2 @ W2a + b2a)
    h2 = h2 @ W2b + b2b
    h2 = jax.nn.relu(h2)
    h2 = bn(h2, g2, be2, rm2, rv2)

    # global mean pool over graphs
    pooled = jax.ops.segment_sum(h2, batch, num_segments=G)
    counts = jax.ops.segment_sum(jnp.ones((N,), jnp.float32), batch, num_segments=G)
    counts = jnp.maximum(counts, 1.0)
    pooled = pooled / counts[:, None]

    h3 = jax.nn.relu(pooled @ Wf1 + bf1)
    # dropout is identity in eval mode
    out = h3 @ Wf2 + bf2
    return out

if __name__ == "__main__":
    import jax
    _d = setup_inputs()
    print(jax.jit(kernel)(*tuple(_d.values())))

</pallas_src>

<mosaic_0001>
#map = affine_map<(d0, d1) -> (0, 0)>
#map1 = affine_map<(d0, d1) -> (0, 0, 0, 0)>
#map2 = affine_map<(d0, d1) -> (0, 0, 0)>
module attributes {stable_mosaic.version = 14 : i64} {
  func.func @seg_kernel(%arg0: i32, %arg1: i32, %arg2: memref<10000x64xf32, #tpu.memory_space<hbm>>, %arg3: memref<2x32x50x200xi32, #tpu.memory_space<hbm>>, %arg4: memref<10240x64xf32, #tpu.memory_space<hbm>>, %arg5: memref<2x10240x64xf32, #tpu.memory_space<hbm>>, %arg6: memref<50x200xi32, #tpu.memory_space<vmem>>, %arg7: memref<50x200xi32, #tpu.memory_space<vmem>>, %arg8: memref<200x64xf32, #tpu.memory_space<vmem>>, %arg9: memref<200x64xf32, #tpu.memory_space<vmem>>, %arg10: memref<200x64xf32, #tpu.memory_space<vmem>>, %arg11: memref<200x64xf32, #tpu.memory_space<vmem>>, %arg12: memref<200x64xf32, #tpu.memory_space<vmem>>, %arg13: memref<10240x64xf32, #tpu.memory_space<vmem_shared>>, %arg14: memref<!tpu.dma_semaphore, #tpu.memory_space<semaphore_mem>>, %arg15: memref<!tpu.dma_semaphore, #tpu.memory_space<semaphore_mem>>, %arg16: memref<!tpu.dma_semaphore, #tpu.memory_space<semaphore_mem>>, %arg17: memref<!tpu.dma_semaphore, #tpu.memory_space<semaphore_mem>>, %arg18: memref<!tpu.dma_semaphore, #tpu.memory_space<semaphore_mem>>, %arg19: memref<!tpu.dma_semaphore, #tpu.memory_space<semaphore_mem>>, %arg20: memref<!tpu.dma_semaphore, #tpu.memory_space<semaphore_mem>>, %arg21: memref<!tpu.dma_semaphore, #tpu.memory_space<semaphore_mem>>, %arg22: memref<!tpu.dma_semaphore, #tpu.memory_space<semaphore_mem>>, %arg23: memref<!tpu.dma_semaphore, #tpu.memory_space<semaphore_mem>>) attributes {dimension_semantics = [#tpu.dimension_semantics<core_parallel>, #tpu.dimension_semantics<subcore_parallel>], iteration_bounds = array<i64: 2, 16>, scalar_prefetch = 0 : i64, scratch_operands = 18 : i64, tpu.core_type = #tpu.core_type<sc_vector_subcore>, window_params = [{transform_indices = #map}, {transform_indices = #map1}, {transform_indices = #map}, {transform_indices = #map2}]} {
    %mul3A = arith.constant 2 : i32
    %mul3A_0 = arith.muli %arg1, %mul3A : i32
    %add3A = arith.addi %mul3A_0, %arg0 : i32
    %mul3A_1 = arith.constant 640 : i32
    %mul3A_2 = arith.muli %arg1, %mul3A_1 : i32
    "tpu.region"() ({
      %run_scoped3A_43 = tpu.sem_alloc : memref<!tpu.dma_semaphore, #tpu.memory_space<semaphore_mem>>
      %dma_start3A_44 = arith.constant 0 : i32
      %dma_start3A_45 = tpu.memref_slice %arg13[%mul3A_2, %dma_start3A_44] : memref<10240x64xf32, #tpu.memory_space<vmem_shared>> -> memref<640x64xf32, #tpu.memory_space<vmem_shared>>
      %dma_start3A_46 = arith.constant 0 : i32
      %dma_start3A_47 = tpu.memref_slice %arg4[%mul3A_2, %dma_start3A_46] : memref<10240x64xf32, #tpu.memory_space<hbm>> -> memref<640x64xf32, #tpu.memory_space<hbm>>
      tpu.enqueue_dma source(%dma_start3A_47 : memref<640x64xf32, #tpu.memory_space<hbm>>) target(%dma_start3A_45 : memref<640x64xf32, #tpu.memory_space<vmem_shared>>) target_semaphore(%run_scoped3A_43 : memref<!tpu.dma_semaphore, #tpu.memory_space<semaphore_mem>>)
      %dma_wait3A_48 = arith.constant 0 : i32
      %dma_wait3A_49 = tpu.memref_slice %arg13[%mul3A_2, %dma_wait3A_48] : memref<10240x64xf32, #tpu.memory_space<vmem_shared>> -> memref<640x64xf32, #tpu.memory_space<vmem_shared>>
      %dma_wait3A_50 = arith.constant 0 : i32
      %dma_wait3A_51 = tpu.memref_slice %arg4[%mul3A_2, %dma_wait3A_50] : memref<10240x64xf32, #tpu.memory_space<hbm>> -> memref<640x64xf32, #tpu.memory_space<hbm>>
      tpu.wait_dma2 semaphore(%run_scoped3A_43 : memref<!tpu.dma_semaphore, #tpu.memory_space<semaphore_mem>>) src(%dma_wait3A_51 : memref<640x64xf32, #tpu.memory_space<hbm>>) dst(%dma_wait3A_49 : memref<640x64xf32, #tpu.memory_space<vmem_shared>>)
      tpu.yield
    }) : () -> ()
    %run_scoped3A = arith.constant 0 : i32
    "tpu.region"() ({
      %run_scoped3A_43 = tpu.sem_alloc : memref<!tpu.dma_semaphore, #tpu.memory_space<semaphore_mem>>
      %dma_start3A_44 = arith.constant 0 : i32
      %dma_start3A_45 = arith.constant 0 : i32
      %dma_start3A_46 = tpu.memref_slice %arg3[%run_scoped3A, %add3A, %dma_start3A_44, %dma_start3A_45] : memref<2x32x50x200xi32, #tpu.memory_space<hbm>> -> memref<1x1x50x200xi32, #tpu.memory_space<hbm>>
      %dma_start3A_47 = tpu.memref_squeeze %dma_start3A_46 : memref<1x1x50x200xi32, #tpu.memory_space<hbm>> -> memref<50x200xi32, #tpu.memory_space<hbm>>
      %dma_start3A_48 = arith.constant 0 : i32
      %dma_start3A_49 = arith.constant 0 : i32
      %dma_start3A_50 = tpu.memref_slice %arg3[%run_scoped3A, %add3A, %dma_start3A_48, %dma_start3A_49] : memref<2x32x50x200xi32, #tpu.memory_space<hbm>> -> memref<1x1x50x200xi32, #tpu.memory_space<hbm>>
      %dma_start3A_51 = tpu.memref_squeeze %dma_start3A_50 : memref<1x1x50x200xi32, #tpu.memory_space<hbm>> -> memref<50x200xi32, #tpu.memory_space<hbm>>
      tpu.enqueue_dma source(%dma_start3A_51 : memref<50x200xi32, #tpu.memory_space<hbm>>) target(%arg6 : memref<50x200xi32, #tpu.memory_space<vmem>>) target_semaphore(%run_scoped3A_43 : memref<!tpu.dma_semaphore, #tpu.memory_space<semaphore_mem>>)
      %dma_wait3A_52 = arith.constant 0 : i32
      %dma_wait3A_53 = arith.constant 0 : i32
      %dma_wait3A_54 = tpu.memref_slice %arg3[%run_scoped3A, %add3A, %dma_wait3A_52, %dma_wait3A_53] : memref<2x32x50x200xi32, #tpu.memory_space<hbm>> -> memref<1x1x50x200xi32, #tpu.memory_space<hbm>>
      %dma_wait3A_55 = tpu.memref_squeeze %dma_wait3A_54 : memref<1x1x50x200xi32, #tpu.memory_space<hbm>> -> memref<50x200xi32, #tpu.memory_space<hbm>>
      %dma_wait3A_56 = arith.constant 0 : i32
      %dma_wait3A_57 = arith.constant 0 : i32
      %dma_wait3A_58 = tpu.memref_slice %arg3[%run_scoped3A, %add3A, %dma_wait3A_56, %dma_wait3A_57] : memref<2x32x50x200xi32, #tpu.memory_space<hbm>> -> memref<1x1x50x200xi32, #tpu.memory_space<hbm>>
      %dma_wait3A_59 = tpu.memref_squeeze %dma_wait3A_58 : memref<1x1x50x200xi32, #tpu.memory_space<hbm>> -> memref<50x200xi32, #tpu.memory_space<hbm>>
      tpu.wait_dma2 semaphore(%run_scoped3A_43 : memref<!tpu.dma_semaphore, #tpu.memory_space<semaphore_mem>>) src(%dma_wait3A_59 : memref<50x200xi32, #tpu.memory_space<hbm>>) dst(%arg6 : memref<50x200xi32, #tpu.memory_space<vmem>>)
      tpu.yield
    }) : () -> ()
    %run_scoped3A_3 = arith.constant 1 : i32
    "tpu.region"() ({
      %run_scoped3A_43 = tpu.sem_alloc : memref<!tpu.dma_semaphore, #tpu.memory_space<semaphore_mem>>
      %dma_start3A_44 = arith.constant 0 : i32
      %dma_start3A_45 = arith.constant 0 : i32
      %dma_start3A_46 = tpu.memref_slice %arg3[%run_scoped3A_3, %add3A, %dma_start3A_44, %dma_start3A_45] : memref<2x32x50x200xi32, #tpu.memory_space<hbm>> -> memref<1x1x50x200xi32, #tpu.memory_space<hbm>>
      %dma_start3A_47 = tpu.memref_squeeze %dma_start3A_46 : memref<1x1x50x200xi32, #tpu.memory_space<hbm>> -> memref<50x200xi32, #tpu.memory_space<hbm>>
      %dma_start3A_48 = arith.constant 0 : i32
      %dma_start3A_49 = arith.constant 0 : i32
      %dma_start3A_50 = tpu.memref_slice %arg3[%run_scoped3A_3, %add3A, %dma_start3A_48, %dma_start3A_49] : memref<2x32x50x200xi32, #tpu.memory_space<hbm>> -> memref<1x1x50x200xi32, #tpu.memory_space<hbm>>
      %dma_start3A_51 = tpu.memref_squeeze %dma_start3A_50 : memref<1x1x50x200xi32, #tpu.memory_space<hbm>> -> memref<50x200xi32, #tpu.memory_space<hbm>>
      tpu.enqueue_dma source(%dma_start3A_51 : memref<50x200xi32, #tpu.memory_space<hbm>>) target(%arg7 : memref<50x200xi32, #tpu.memory_space<vmem>>) target_semaphore(%run_scoped3A_43 : memref<!tpu.dma_semaphore, #tpu.memory_space<semaphore_mem>>)
      %dma_wait3A_52 = arith.constant 0 : i32
      %dma_wait3A_53 = arith.constant 0 : i32
      %dma_wait3A_54 = tpu.memref_slice %arg3[%run_scoped3A_3, %add3A, %dma_wait3A_52, %dma_wait3A_53] : memref<2x32x50x200xi32, #tpu.memory_space<hbm>> -> memref<1x1x50x200xi32, #tpu.memory_space<hbm>>
      %dma_wait3A_55 = tpu.memref_squeeze %dma_wait3A_54 : memref<1x1x50x200xi32, #tpu.memory_space<hbm>> -> memref<50x200xi32, #tpu.memory_space<hbm>>
      %dma_wait3A_56 = arith.constant 0 : i32
      %dma_wait3A_57 = arith.constant 0 : i32
      %dma_wait3A_58 = tpu.memref_slice %arg3[%run_scoped3A_3, %add3A, %dma_wait3A_56, %dma_wait3A_57] : memref<2x32x50x200xi32, #tpu.memory_space<hbm>> -> memref<1x1x50x200xi32, #tpu.memory_space<hbm>>
      %dma_wait3A_59 = tpu.memref_squeeze %dma_wait3A_58 : memref<1x1x50x200xi32, #tpu.memory_space<hbm>> -> memref<50x200xi32, #tpu.memory_space<hbm>>
      tpu.wait_dma2 semaphore(%run_scoped3A_43 : memref<!tpu.dma_semaphore, #tpu.memory_space<semaphore_mem>>) src(%dma_wait3A_59 : memref<50x200xi32, #tpu.memory_space<hbm>>) dst(%arg7 : memref<50x200xi32, #tpu.memory_space<vmem>>)
      tpu.yield
    }) : () -> ()
    %barrier3A = arith.constant 0 : index
    tpu.barrier barrier_id(%barrier3A)
    %dma_start3A = arith.constant 0 : i32
    %dma_start3A_4 = arith.constant 0 : i32
    %dma_start3A_5 = tpu.memref_slice %arg6[%dma_start3A, %dma_start3A_4] : memref<50x200xi32, #tpu.memory_space<vmem>> -> memref<1x200xi32, #tpu.memory_space<vmem>>
    %dma_start3A_6 = tpu.memref_squeeze %dma_start3A_5 : memref<1x200xi32, #tpu.memory_space<vmem>> -> memref<200xi32, #tpu.memory_space<vmem>>
    %dma_start3A_7 = arith.constant 0 : i32
    %dma_start3A_8 = arith.constant 0 : i32
    %dma_start3A_9 = tpu.memref_slice %arg2[%dma_start3A_7, %dma_start3A_8] : memref<10000x64xf32, #tpu.memory_space<hbm>> -> memref<10000x64xf32, #tpu.memory_space<hbm>>
    tpu.enqueue_indirect_dma source(%dma_start3A_9 : memref<10000x64xf32, #tpu.memory_space<hbm>>) target(%arg8 : memref<200x64xf32, #tpu.memory_space<vmem>>) offsets(%dma_start3A_6 : memref<200xi32, #tpu.memory_space<vmem>>) semaphore(%arg14 : memref<!tpu.dma_semaphore, #tpu.memory_space<semaphore_mem>>)
    %dma_start3A_10 = arith.constant 1 : i32
    %dma_start3A_11 = arith.constant 0 : i32
    %dma_start3A_12 = tpu.memref_slice %arg6[%dma_start3A_10, %dma_start3A_11] : memref<50x200xi32, #tpu.memory_space<vmem>> -> memref<1x200xi32, #tpu.memory_space<vmem>>
    %dma_start3A_13 = tpu.memref_squeeze %dma_start3A_12 : memref<1x200xi32, #tpu.memory_space<vmem>> -> memref<200xi32, #tpu.memory_space<vmem>>
    %dma_start3A_14 = arith.constant 0 : i32
    %dma_start3A_15 = arith.constant 0 : i32
    %dma_start3A_16 = tpu.memref_slice %arg2[%dma_start3A_14, %dma_start3A_15] : memref<10000x64xf32, #tpu.memory_space<hbm>> -> memref<10000x64xf32, #tpu.memory_space<hbm>>
    tpu.enqueue_indirect_dma source(%dma_start3A_16 : memref<10000x64xf32, #tpu.memory_space<hbm>>) target(%arg9 : memref<200x64xf32, #tpu.memory_space<vmem>>) offsets(%dma_start3A_13 : memref<200xi32, #tpu.memory_space<vmem>>) semaphore(%arg15 : memref<!tpu.dma_semaphore, #tpu.memory_space<semaphore_mem>>)
    %scan3A = arith.constant 0 : i32
    %scan3A_17 = arith.constant 0 : i32
    %scan3A_18 = arith.constant 10 : i32
    %scan3A_19 = arith.addi %scan3A_17, %scan3A_18 : i32
    %scan3A_20 = arith.constant 1 : i32
    scf.for %scan3A_43 = %scan3A_17 to %scan3A_19 step %scan3A_20  : i32 {
      %mul3A_44 = arith.constant 5 : i32
      %mul3A_45 = arith.muli %mul3A_44, %scan3A_43 : i32
      %add3A_46 = arith.constant 0 : i32
      %add3A_47 = arith.addi %mul3A_45, %add3A_46 : i32
      %dma_wait3A_48 = arith.constant 0 : i32
      %dma_wait3A_49 = tpu.memref_slice %arg6[%add3A_47, %dma_wait3A_48] : memref<50x200xi32, #tpu.memory_space<vmem>> -> memref<1x200xi32, #tpu.memory_space<vmem>>
      %dma_wait3A_50 = tpu.memref_squeeze %dma_wait3A_49 : memref<1x200xi32, #tpu.memory_space<vmem>> -> memref<200xi32, #tpu.memory_space<vmem>>
      %dma_wait3A_51 = arith.constant 0 : i32
      %dma_wait3A_52 = arith.constant 0 : i32
      %dma_wait3A_53 = tpu.memref_slice %arg2[%dma_wait3A_51, %dma_wait3A_52] : memref<10000x64xf32, #tpu.memory_space<hbm>> -> memref<10000x64xf32, #tpu.memory_space<hbm>>
      tpu.wait_indirect_dma semaphore(%arg14 : memref<!tpu.dma_semaphore, #tpu.memory_space<semaphore_mem>>) src(%dma_wait3A_53 : memref<10000x64xf32, #tpu.memory_space<hbm>>) dst(%arg8 : memref<200x64xf32, #tpu.memory_space<vmem>>)
      %dma_start3A_54 = arith.constant 0 : i32
      %dma_start3A_55 = tpu.memref_slice %arg7[%add3A_47, %dma_start3A_54] : memref<50x200xi32, #tpu.memory_space<vmem>> -> memref<1x200xi32, #tpu.memory_space<vmem>>
      %dma_start3A_56 = tpu.memref_squeeze %dma_start3A_55 : memref<1x200xi32, #tpu.memory_space<vmem>> -> memref<200xi32, #tpu.memory_space<vmem>>
      %dma_start3A_57 = arith.constant 0 : i32
      %dma_start3A_58 = arith.constant 0 : i32
      %dma_start3A_59 = tpu.memref_slice %arg13[%dma_start3A_57, %dma_start3A_58] : memref<10240x64xf32, #tpu.memory_space<vmem_shared>> -> memref<10240x64xf32, #tpu.memory_space<vmem_shared>>
      tpu.enqueue_indirect_dma source(%arg8 : memref<200x64xf32, #tpu.memory_space<vmem>>) target(%dma_start3A_59 : memref<10240x64xf32, #tpu.memory_space<vmem_shared>>) offsets(%dma_start3A_56 : memref<200xi32, #tpu.memory_space<vmem>>) semaphore(%arg19 : memref<!tpu.dma_semaphore, #tpu.memory_space<semaphore_mem>>) {add = true}
      %sub3A = arith.constant 3 : i32
      %sub3A_60 = arith.subi %add3A_47, %sub3A : i32
      %ge3A = arith.constant 0 : i32
      %ge3A_61 = arith.cmpi sge, %sub3A_60, %ge3A : i32
      %convert_element_type3A = arith.extui %ge3A_61 : i1 to i32
      %cond3A = arith.constant 0 : i32
      %cond3A_62 = arith.cmpi ne, %convert_element_type3A, %cond3A : i32
      scf.if %cond3A_62 {
        %dma_wait3A_181 = arith.constant 0 : i32
        %dma_wait3A_182 = tpu.memref_slice %arg7[%sub3A_60, %dma_wait3A_181] : memref<50x200xi32, #tpu.memory_space<vmem>> -> memref<1x200xi32, #tpu.memory_space<vmem>>
        %dma_wait3A_183 = tpu.memref_squeeze %dma_wait3A_182 : memref<1x200xi32, #tpu.memory_space<vmem>> -> memref<200xi32, #tpu.memory_space<vmem>>
        %dma_wait3A_184 = arith.constant 0 : i32
        %dma_wait3A_185 = arith.constant 0 : i32
        %dma_wait3A_186 = tpu.memref_slice %arg13[%dma_wait3A_184, %dma_wait3A_185] : memref<10240x64xf32, #tpu.memory_space<vmem_shared>> -> memref<10240x64xf32, #tpu.memory_space<vmem_shared>>
        tpu.wait_indirect_dma semaphore(%arg21 : memref<!tpu.dma_semaphore, #tpu.memory_space<semaphore_mem>>) src(%arg10 : memref<200x64xf32, #tpu.memory_space<vmem>>) dst(%dma_wait3A_186 : memref<10240x64xf32, #tpu.memory_space<vmem_shared>>)
      } else {
      }
      %add3A_63 = arith.constant 2 : i32
      %add3A_64 = arith.addi %add3A_47, %add3A_63 : i32
      %lt3A = arith.constant 50 : i32
      %lt3A_65 = arith.cmpi slt, %add3A_64, %lt3A : i32
      %convert_element_type3A_66 = arith.extui %lt3A_65 : i1 to i32
      %cond3A_67 = arith.constant 0 : i32
      %cond3A_68 = arith.cmpi ne, %convert_element_type3A_66, %cond3A_67 : i32
      scf.if %cond3A_68 {
        %add3A_181 = arith.constant 2 : i32
        %add3A_182 = arith.addi %add3A_47, %add3A_181 : i32
        %dma_start3A_183 = arith.constant 0 : i32
        %dma_start3A_184 = tpu.memref_slice %arg6[%add3A_182, %dma_start3A_183] : memref<50x200xi32, #tpu.memory_space<vmem>> -> memref<1x200xi32, #tpu.memory_space<vmem>>
        %dma_start3A_185 = tpu.memref_squeeze %dma_start3A_184 : memref<1x200xi32, #tpu.memory_space<vmem>> -> memref<200xi32, #tpu.memory_space<vmem>>
        %dma_start3A_186 = arith.constant 0 : i32
        %dma_start3A_187 = arith.constant 0 : i32
        %dma_start3A_188 = tpu.memref_slice %arg2[%dma_start3A_186, %dma_start3A_187] : memref<10000x64xf32, #tpu.memory_space<hbm>> -> memref<10000x64xf32, #tpu.memory_space<hbm>>
        tpu.enqueue_indirect_dma source(%dma_start3A_188 : memref<10000x64xf32, #tpu.memory_space<hbm>>) target(%arg10 : memref<200x64xf32, #tpu.memory_space<vmem>>) offsets(%dma_start3A_185 : memref<200xi32, #tpu.memory_space<vmem>>) semaphore(%arg16 : memref<!tpu.dma_semaphore, #tpu.memory_space<semaphore_mem>>)
      } else {
      }
      %add3A_69 = arith.constant 1 : i32
      %add3A_70 = arith.addi %mul3A_45, %add3A_69 : i32
      %dma_wait3A_71 = arith.constant 0 : i32
      %dma_wait3A_72 = tpu.memref_slice %arg6[%add3A_70, %dma_wait3A_71] : memref<50x200xi32, #tpu.memory_space<vmem>> -> memref<1x200xi32, #tpu.memory_space<vmem>>
      %dma_wait3A_73 = tpu.memref_squeeze %dma_wait3A_72 : memref<1x200xi32, #tpu.memory_space<vmem>> -> memref<200xi32, #tpu.memory_space<vmem>>
      %dma_wait3A_74 = arith.constant 0 : i32
      %dma_wait3A_75 = arith.constant 0 : i32
      %dma_wait3A_76 = tpu.memref_slice %arg2[%dma_wait3A_74, %dma_wait3A_75] : memref<10000x64xf32, #tpu.memory_space<hbm>> -> memref<10000x64xf32, #tpu.memory_space<hbm>>
      tpu.wait_indirect_dma semaphore(%arg15 : memref<!tpu.dma_semaphore, #tpu.memory_space<semaphore_mem>>) src(%dma_wait3A_76 : memref<10000x64xf32, #tpu.memory_space<hbm>>) dst(%arg9 : memref<200x64xf32, #tpu.memory_space<vmem>>)
      %dma_start3A_77 = arith.constant 0 : i32
      %dma_start3A_78 = tpu.memref_slice %arg7[%add3A_70, %dma_start3A_77] : memref<50x200xi32, #tpu.memory_space<vmem>> -> memref<1x200xi32, #tpu.memory_space<vmem>>
      %dma_start3A_79 = tpu.memref_squeeze %dma_start3A_78 : memref<1x200xi32, #tpu.memory_space<vmem>> -> memref<200xi32, #tpu.memory_space<vmem>>
      %dma_start3A_80 = arith.constant 0 : i32
      %dma_start3A_81 = arith.constant 0 : i32
      %dma_start3A_82 = tpu.memref_slice %arg13[%dma_start3A_80, %dma_start3A_81] : memref<10240x64xf32, #tpu.memory_space<vmem_shared>> -> memref<10240x64xf32, #tpu.memory_space<vmem_shared>>
      tpu.enqueue_indirect_dma source(%arg9 : memref<200x64xf32, #tpu.memory_space<vmem>>) target(%dma_start3A_82 : memref<10240x64xf32, #tpu.memory_space<vmem_shared>>) offsets(%dma_start3A_79 : memref<200xi32, #tpu.memory_space<vmem>>) semaphore(%arg20 : memref<!tpu.dma_semaphore, #tpu.memory_space<semaphore_mem>>) {add = true}
      %sub3A_83 = arith.constant 3 : i32
      %sub3A_84 = arith.subi %add3A_70, %sub3A_83 : i32
      %ge3A_85 = arith.constant 0 : i32
      %ge3A_86 = arith.cmpi sge, %sub3A_84, %ge3A_85 : i32
      %convert_element_type3A_87 = arith.extui %ge3A_86 : i1 to i32
      %cond3A_88 = arith.constant 0 : i32
      %cond3A_89 = arith.cmpi ne, %convert_element_type3A_87, %cond3A_88 : i32
      scf.if %cond3A_89 {
        %dma_wait3A_181 = arith.constant 0 : i32
        %dma_wait3A_182 = tpu.memref_slice %arg7[%sub3A_84, %dma_wait3A_181] : memref<50x200xi32, #tpu.memory_space<vmem>> -> memref<1x200xi32, #tpu.memory_space<vmem>>
        %dma_wait3A_183 = tpu.memref_squeeze %dma_wait3A_182 : memref<1x200xi32, #tpu.memory_space<vmem>> -> memref<200xi32, #tpu.memory_space<vmem>>
        %dma_wait3A_184 = arith.constant 0 : i32
        %dma_wait3A_185 = arith.constant 0 : i32
        %dma_wait3A_186 = tpu.memref_slice %arg13[%dma_wait3A_184, %dma_wait3A_185] : memref<10240x64xf32, #tpu.memory_space<vmem_shared>> -> memref<10240x64xf32, #tpu.memory_space<vmem_shared>>
        tpu.wait_indirect_dma semaphore(%arg22 : memref<!tpu.dma_semaphore, #tpu.memory_space<semaphore_mem>>) src(%arg11 : memref<200x64xf32, #tpu.memory_space<vmem>>) dst(%dma_wait3A_186 : memref<10240x64xf32, #tpu.memory_space<vmem_shared>>)
      } else {
      }
      %add3A_90 = arith.constant 2 : i32
      %add3A_91 = arith.addi %add3A_70, %add3A_90 : i32
      %lt3A_92 = arith.constant 50 : i32
      %lt3A_93 = arith.cmpi slt, %add3A_91, %lt3A_92 : i32
      %convert_element_type3A_94 = arith.extui %lt3A_93 : i1 to i32
      %cond3A_95 = arith.constant 0 : i32
      %cond3A_96 = arith.cmpi ne, %convert_element_type3A_94, %cond3A_95 : i32
      scf.if %cond3A_96 {
        %add3A_181 = arith.constant 2 : i32
        %add3A_182 = arith.addi %add3A_70, %add3A_181 : i32
        %dma_start3A_183 = arith.constant 0 : i32
        %dma_start3A_184 = tpu.memref_slice %arg6[%add3A_182, %dma_start3A_183] : memref<50x200xi32, #tpu.memory_space<vmem>> -> memref<1x200xi32, #tpu.memory_space<vmem>>
        %dma_start3A_185 = tpu.memref_squeeze %dma_start3A_184 : memref<1x200xi32, #tpu.memory_space<vmem>> -> memref<200xi32, #tpu.memory_space<vmem>>
        %dma_start3A_186 = arith.constant 0 : i32
        %dma_start3A_187 = arith.constant 0 : i32
        %dma_start3A_188 = tpu.memref_slice %arg2[%dma_start3A_186, %dma_start3A_187] : memref<10000x64xf32, #tpu.memory_space<hbm>> -> memref<10000x64xf32, #tpu.memory_space<hbm>>
        tpu.enqueue_indirect_dma source(%dma_start3A_188 : memref<10000x64xf32, #tpu.memory_space<hbm>>) target(%arg11 : memref<200x64xf32, #tpu.memory_space<vmem>>) offsets(%dma_start3A_185 : memref<200xi32, #tpu.memory_space<vmem>>) semaphore(%arg17 : memref<!tpu.dma_semaphore, #tpu.memory_space<semaphore_mem>>)
      } else {
      }
      %add3A_97 = arith.constant 2 : i32
      %add3A_98 = arith.addi %mul3A_45, %add3A_97 : i32
      %dma_wait3A_99 = arith.constant 0 : i32
      %dma_wait3A_100 = tpu.memref_slice %arg6[%add3A_98, %dma_wait3A_99] : memref<50x200xi32, #tpu.memory_space<vmem>> -> memref<1x200xi32, #tpu.memory_space<vmem>>
      %dma_wait3A_101 = tpu.memref_squeeze %dma_wait3A_100 : memref<1x200xi32, #tpu.memory_space<vmem>> -> memref<200xi32, #tpu.memory_space<vmem>>
      %dma_wait3A_102 = arith.constant 0 : i32
      %dma_wait3A_103 = arith.constant 0 : i32
      %dma_wait3A_104 = tpu.memref_slice %arg2[%dma_wait3A_102, %dma_wait3A_103] : memref<10000x64xf32, #tpu.memory_space<hbm>> -> memref<10000x64xf32, #tpu.memory_space<hbm>>
      tpu.wait_indirect_dma semaphore(%arg16 : memref<!tpu.dma_semaphore, #tpu.memory_space<semaphore_mem>>) src(%dma_wait3A_104 : memref<10000x64xf32, #tpu.memory_space<hbm>>) dst(%arg10 : memref<200x64xf32, #tpu.memory_space<vmem>>)
      %dma_start3A_105 = arith.constant 0 : i32
      %dma_start3A_106 = tpu.memref_slice %arg7[%add3A_98, %dma_start3A_105] : memref<50x200xi32, #tpu.memory_space<vmem>> -> memref<1x200xi32, #tpu.memory_space<vmem>>
      %dma_start3A_107 = tpu.memref_squeeze %dma_start3A_106 : memref<1x200xi32, #tpu.memory_space<vmem>> -> memref<200xi32, #tpu.memory_space<vmem>>
      %dma_start3A_108 = arith.constant 0 : i32
      %dma_start3A_109 = arith.constant 0 : i32
      %dma_start3A_110 = tpu.memref_slice %arg13[%dma_start3A_108, %dma_start3A_109] : memref<10240x64xf32, #tpu.memory_space<vmem_shared>> -> memref<10240x64xf32, #tpu.memory_space<vmem_shared>>
      tpu.enqueue_indirect_dma source(%arg10 : memref<200x64xf32, #tpu.memory_space<vmem>>) target(%dma_start3A_110 : memref<10240x64xf32, #tpu.memory_space<vmem_shared>>) offsets(%dma_start3A_107 : memref<200xi32, #tpu.memory_space<vmem>>) semaphore(%arg21 : memref<!tpu.dma_semaphore, #tpu.memory_space<semaphore_mem>>) {add = true}
      %sub3A_111 = arith.constant 3 : i32
      %sub3A_112 = arith.subi %add3A_98, %sub3A_111 : i32
      %ge3A_113 = arith.constant 0 : i32
      %ge3A_114 = arith.cmpi sge, %sub3A_112, %ge3A_113 : i32
      %convert_element_type3A_115 = arith.extui %ge3A_114 : i1 to i32
      %cond3A_116 = arith.constant 0 : i32
      %cond3A_117 = arith.cmpi ne, %convert_element_type3A_115, %cond3A_116 : i32
      scf.if %cond3A_117 {
        %dma_wait3A_181 = arith.constant 0 : i32
        %dma_wait3A_182 = tpu.memref_slice %arg7[%sub3A_112, %dma_wait3A_181] : memref<50x200xi32, #tpu.memory_space<vmem>> -> memref<1x200xi32, #tpu.memory_space<vmem>>
        %dma_wait3A_183 = tpu.memref_squeeze %dma_wait3A_182 : memref<1x200xi32, #tpu.memory_space<vmem>> -> memref<200xi32, #tpu.memory_space<vmem>>
        %dma_wait3A_184 = arith.constant 0 : i32
        %dma_wait3A_185 = arith.constant 0 : i32
        %dma_wait3A_186 = tpu.memref_slice %arg13[%dma_wait3A_184, %dma_wait3A_185] : memref<10240x64xf32, #tpu.memory_space<vmem_shared>> -> memref<10240x64xf32, #tpu.memory_space<vmem_shared>>
        tpu.wait_indirect_dma semaphore(%arg23 : memref<!tpu.dma_semaphore, #tpu.memory_space<semaphore_mem>>) src(%arg12 : memref<200x64xf32, #tpu.memory_space<vmem>>) dst(%dma_wait3A_186 : memref<10240x64xf32, #tpu.memory_space<vmem_shared>>)
      } else {
      }
      %add3A_118 = arith.constant 2 : i32
      %add3A_119 = arith.addi %add3A_98, %add3A_118 : i32
      %lt3A_120 = arith.constant 50 : i32
      %lt3A_121 = arith.cmpi slt, %add3A_119, %lt3A_120 : i32
      %convert_element_type3A_122 = arith.extui %lt3A_121 : i1 to i32
      %cond3A_123 = arith.constant 0 : i32
      %cond3A_124 = arith.cmpi ne, %convert_element_type3A_122, %cond3A_123 : i32
      scf.if %cond3A_124 {
        %add3A_181 = arith.constant 2 : i32
        %add3A_182 = arith.addi %add3A_98, %add3A_181 : i32
        %dma_start3A_183 = arith.constant 0 : i32
        %dma_start3A_184 = tpu.memref_slice %arg6[%add3A_182, %dma_start3A_183] : memref<50x200xi32, #tpu.memory_space<vmem>> -> memref<1x200xi32, #tpu.memory_space<vmem>>
        %dma_start3A_185 = tpu.memref_squeeze %dma_start3A_184 : memref<1x200xi32, #tpu.memory_space<vmem>> -> memref<200xi32, #tpu.memory_space<vmem>>
        %dma_start3A_186 = arith.constant 0 : i32
        %dma_start3A_187 = arith.constant 0 : i32
        %dma_start3A_188 = tpu.memref_slice %arg2[%dma_start3A_186, %dma_start3A_187] : memref<10000x64xf32, #tpu.memory_space<hbm>> -> memref<10000x64xf32, #tpu.memory_space<hbm>>
        tpu.enqueue_indirect_dma source(%dma_start3A_188 : memref<10000x64xf32, #tpu.memory_space<hbm>>) target(%arg12 : memref<200x64xf32, #tpu.memory_space<vmem>>) offsets(%dma_start3A_185 : memref<200xi32, #tpu.memory_space<vmem>>) semaphore(%arg18 : memref<!tpu.dma_semaphore, #tpu.memory_space<semaphore_mem>>)
      } else {
      }
      %add3A_125 = arith.constant 3 : i32
      %add3A_126 = arith.addi %mul3A_45, %add3A_125 : i32
      %dma_wait3A_127 = arith.constant 0 : i32
      %dma_wait3A_128 = tpu.memref_slice %arg6[%add3A_126, %dma_wait3A_127] : memref<50x200xi32, #tpu.memory_space<vmem>> -> memref<1x200xi32, #tpu.memory_space<vmem>>
      %dma_wait3A_129 = tpu.memref_squeeze %dma_wait3A_128 : memref<1x200xi32, #tpu.memory_space<vmem>> -> memref<200xi32, #tpu.memory_space<vmem>>
      %dma_wait3A_130 = arith.constant 0 : i32
      %dma_wait3A_131 = arith.constant 0 : i32
      %dma_wait3A_132 = tpu.memref_slice %arg2[%dma_wait3A_130, %dma_wait3A_131] : memref<10000x64xf32, #tpu.memory_space<hbm>> -> memref<10000x64xf32, #tpu.memory_space<hbm>>
      tpu.wait_indirect_dma semaphore(%arg17 : memref<!tpu.dma_semaphore, #tpu.memory_space<semaphore_mem>>) src(%dma_wait3A_132 : memref<10000x64xf32, #tpu.memory_space<hbm>>) dst(%arg11 : memref<200x64xf32, #tpu.memory_space<vmem>>)
      %dma_start3A_133 = arith.constant 0 : i32
      %dma_start3A_134 = tpu.memref_slice %arg7[%add3A_126, %dma_start3A_133] : memref<50x200xi32, #tpu.memory_space<vmem>> -> memref<1x200xi32, #tpu.memory_space<vmem>>
      %dma_start3A_135 = tpu.memref_squeeze %dma_start3A_134 : memref<1x200xi32, #tpu.memory_space<vmem>> -> memref<200xi32, #tpu.memory_space<vmem>>
      %dma_start3A_136 = arith.constant 0 : i32
      %dma_start3A_137 = arith.constant 0 : i32
      %dma_start3A_138 = tpu.memref_slice %arg13[%dma_start3A_136, %dma_start3A_137] : memref<10240x64xf32, #tpu.memory_space<vmem_shared>> -> memref<10240x64xf32, #tpu.memory_space<vmem_shared>>
      tpu.enqueue_indirect_dma source(%arg11 : memref<200x64xf32, #tpu.memory_space<vmem>>) target(%dma_start3A_138 : memref<10240x64xf32, #tpu.memory_space<vmem_shared>>) offsets(%dma_start3A_135 : memref<200xi32, #tpu.memory_space<vmem>>) semaphore(%arg22 : memref<!tpu.dma_semaphore, #tpu.memory_space<semaphore_mem>>) {add = true}
      %sub3A_139 = arith.constant 3 : i32
      %sub3A_140 = arith.subi %add3A_126, %sub3A_139 : i32
      %ge3A_141 = arith.constant 0 : i32
      %ge3A_142 = arith.cmpi sge, %sub3A_140, %ge3A_141 : i32
      %convert_element_type3A_143 = arith.extui %ge3A_142 : i1 to i32
      %cond3A_144 = arith.constant 0 : i32
      %cond3A_145 = arith.cmpi ne, %convert_element_type3A_143, %cond3A_144 : i32
      scf.if %cond3A_145 {
        %dma_wait3A_181 = arith.constant 0 : i32
        %dma_wait3A_182 = tpu.memref_slice %arg7[%sub3A_140, %dma_wait3A_181] : memref<50x200xi32, #tpu.memory_space<vmem>> -> memref<1x200xi32, #tpu.memory_space<vmem>>
        %dma_wait3A_183 = tpu.memref_squeeze %dma_wait3A_182 : memref<1x200xi32, #tpu.memory_space<vmem>> -> memref<200xi32, #tpu.memory_space<vmem>>
        %dma_wait3A_184 = arith.constant 0 : i32
        %dma_wait3A_185 = arith.constant 0 : i32
        %dma_wait3A_186 = tpu.memref_slice %arg13[%dma_wait3A_184, %dma_wait3A_185] : memref<10240x64xf32, #tpu.memory_space<vmem_shared>> -> memref<10240x64xf32, #tpu.memory_space<vmem_shared>>
        tpu.wait_indirect_dma semaphore(%arg19 : memref<!tpu.dma_semaphore, #tpu.memory_space<semaphore_mem>>) src(%arg8 : memref<200x64xf32, #tpu.memory_space<vmem>>) dst(%dma_wait3A_186 : memref<10240x64xf32, #tpu.memory_space<vmem_shared>>)
      } else {
      }
      %add3A_146 = arith.constant 2 : i32
      %add3A_147 = arith.addi %add3A_126, %add3A_146 : i32
      %lt3A_148 = arith.constant 50 : i32
      %lt3A_149 = arith.cmpi slt, %add3A_147, %lt3A_148 : i32
      %convert_element_type3A_150 = arith.extui %lt3A_149 : i1 to i32
      %cond3A_151 = arith.constant 0 : i32
      %cond3A_152 = arith.cmpi ne, %convert_element_type3A_150, %cond3A_151 : i32
      scf.if %cond3A_152 {
        %add3A_181 = arith.constant 2 : i32
        %add3A_182 = arith.addi %add3A_126, %add3A_181 : i32
        %dma_start3A_183 = arith.constant 0 : i32
        %dma_start3A_184 = tpu.memref_slice %arg6[%add3A_182, %dma_start3A_183] : memref<50x200xi32, #tpu.memory_space<vmem>> -> memref<1x200xi32, #tpu.memory_space<vmem>>
        %dma_start3A_185 = tpu.memref_squeeze %dma_start3A_184 : memref<1x200xi32, #tpu.memory_space<vmem>> -> memref<200xi32, #tpu.memory_space<vmem>>
        %dma_start3A_186 = arith.constant 0 : i32
        %dma_start3A_187 = arith.constant 0 : i32
        %dma_start3A_188 = tpu.memref_slice %arg2[%dma_start3A_186, %dma_start3A_187] : memref<10000x64xf32, #tpu.memory_space<hbm>> -> memref<10000x64xf32, #tpu.memory_space<hbm>>
        tpu.enqueue_indirect_dma source(%dma_start3A_188 : memref<10000x64xf32, #tpu.memory_space<hbm>>) target(%arg8 : memref<200x64xf32, #tpu.memory_space<vmem>>) offsets(%dma_start3A_185 : memref<200xi32, #tpu.memory_space<vmem>>) semaphore(%arg14 : memref<!tpu.dma_semaphore, #tpu.memory_space<semaphore_mem>>)
      } else {
      }
      %add3A_153 = arith.constant 4 : i32
      %add3A_154 = arith.addi %mul3A_45, %add3A_153 : i32
      %dma_wait3A_155 = arith.constant 0 : i32
      %dma_wait3A_156 = tpu.memref_slice %arg6[%add3A_154, %dma_wait3A_155] : memref<50x200xi32, #tpu.memory_space<vmem>> -> memref<1x200xi32, #tpu.memory_space<vmem>>
      %dma_wait3A_157 = tpu.memref_squeeze %dma_wait3A_156 : memref<1x200xi32, #tpu.memory_space<vmem>> -> memref<200xi32, #tpu.memory_space<vmem>>
      %dma_wait3A_158 = arith.constant 0 : i32
      %dma_wait3A_159 = arith.constant 0 : i32
      %dma_wait3A_160 = tpu.memref_slice %arg2[%dma_wait3A_158, %dma_wait3A_159] : memref<10000x64xf32, #tpu.memory_space<hbm>> -> memref<10000x64xf32, #tpu.memory_space<hbm>>
      tpu.wait_indirect_dma semaphore(%arg18 : memref<!tpu.dma_semaphore, #tpu.memory_space<semaphore_mem>>) src(%dma_wait3A_160 : memref<10000x64xf32, #tpu.memory_space<hbm>>) dst(%arg12 : memref<200x64xf32, #tpu.memory_space<vmem>>)
      %dma_start3A_161 = arith.constant 0 : i32
      %dma_start3A_162 = tpu.memref_slice %arg7[%add3A_154, %dma_start3A_161] : memref<50x200xi32, #tpu.memory_space<vmem>> -> memref<1x200xi32, #tpu.memory_space<vmem>>
      %dma_start3A_163 = tpu.memref_squeeze %dma_start3A_162 : memref<1x200xi32, #tpu.memory_space<vmem>> -> memref<200xi32, #tpu.memory_space<vmem>>
      %dma_start3A_164 = arith.constant 0 : i32
      %dma_start3A_165 = arith.constant 0 : i32
      %dma_start3A_166 = tpu.memref_slice %arg13[%dma_start3A_164, %dma_start3A_165] : memref<10240x64xf32, #tpu.memory_space<vmem_shared>> -> memref<10240x64xf32, #tpu.memory_space<vmem_shared>>
      tpu.enqueue_indirect_dma source(%arg12 : memref<200x64xf32, #tpu.memory_space<vmem>>) target(%dma_start3A_166 : memref<10240x64xf32, #tpu.memory_space<vmem_shared>>) offsets(%dma_start3A_163 : memref<200xi32, #tpu.memory_space<vmem>>) semaphore(%arg23 : memref<!tpu.dma_semaphore, #tpu.memory_space<semaphore_mem>>) {add = true}
      %sub3A_167 = arith.constant 3 : i32
      %sub3A_168 = arith.subi %add3A_154, %sub3A_167 : i32
      %ge3A_169 = arith.constant 0 : i32
      %ge3A_170 = arith.cmpi sge, %sub3A_168, %ge3A_169 : i32
      %convert_element_type3A_171 = arith.extui %ge3A_170 : i1 to i32
      %cond3A_172 = arith.constant 0 : i32
      %cond3A_173 = arith.cmpi ne, %convert_element_type3A_171, %cond3A_172 : i32
      scf.if %cond3A_173 {
        %dma_wait3A_181 = arith.constant 0 : i32
        %dma_wait3A_182 = tpu.memref_slice %arg7[%sub3A_168, %dma_wait3A_181] : memref<50x200xi32, #tpu.memory_space<vmem>> -> memref<1x200xi32, #tpu.memory_space<vmem>>
        %dma_wait3A_183 = tpu.memref_squeeze %dma_wait3A_182 : memref<1x200xi32, #tpu.memory_space<vmem>> -> memref<200xi32, #tpu.memory_space<vmem>>
        %dma_wait3A_184 = arith.constant 0 : i32
        %dma_wait3A_185 = arith.constant 0 : i32
        %dma_wait3A_186 = tpu.memref_slice %arg13[%dma_wait3A_184, %dma_wait3A_185] : memref<10240x64xf32, #tpu.memory_space<vmem_shared>> -> memref<10240x64xf32, #tpu.memory_space<vmem_shared>>
        tpu.wait_indirect_dma semaphore(%arg20 : memref<!tpu.dma_semaphore, #tpu.memory_space<semaphore_mem>>) src(%arg9 : memref<200x64xf32, #tpu.memory_space<vmem>>) dst(%dma_wait3A_186 : memref<10240x64xf32, #tpu.memory_space<vmem_shared>>)
      } else {
      }
      %add3A_174 = arith.constant 2 : i32
      %add3A_175 = arith.addi %add3A_154, %add3A_174 : i32
      %lt3A_176 = arith.constant 50 : i32
      %lt3A_177 = arith.cmpi slt, %add3A_175, %lt3A_176 : i32
      %convert_element_type3A_178 = arith.extui %lt3A_177 : i1 to i32
      %cond3A_179 = arith.constant 0 : i32
      %cond3A_180 = arith.cmpi ne, %convert_element_type3A_178, %cond3A_179 : i32
      scf.if %cond3A_180 {
        %add3A_181 = arith.constant 2 : i32
        %add3A_182 = arith.addi %add3A_154, %add3A_181 : i32
        %dma_start3A_183 = arith.constant 0 : i32
        %dma_start3A_184 = tpu.memref_slice %arg6[%add3A_182, %dma_start3A_183] : memref<50x200xi32, #tpu.memory_space<vmem>> -> memref<1x200xi32, #tpu.memory_space<vmem>>
        %dma_start3A_185 = tpu.memref_squeeze %dma_start3A_184 : memref<1x200xi32, #tpu.memory_space<vmem>> -> memref<200xi32, #tpu.memory_space<vmem>>
        %dma_start3A_186 = arith.constant 0 : i32
        %dma_start3A_187 = arith.constant 0 : i32
        %dma_start3A_188 = tpu.memref_slice %arg2[%dma_start3A_186, %dma_start3A_187] : memref<10000x64xf32, #tpu.memory_space<hbm>> -> memref<10000x64xf32, #tpu.memory_space<hbm>>
        tpu.enqueue_indirect_dma source(%dma_start3A_188 : memref<10000x64xf32, #tpu.memory_space<hbm>>) target(%arg9 : memref<200x64xf32, #tpu.memory_space<vmem>>) offsets(%dma_start3A_185 : memref<200xi32, #tpu.memory_space<vmem>>) semaphore(%arg15 : memref<!tpu.dma_semaphore, #tpu.memory_space<semaphore_mem>>)
      } else {
      }
    }
    %scan3A_21 = arith.constant 10 : i32
    %dma_wait3A = arith.constant 47 : i32
    %dma_wait3A_22 = arith.constant 0 : i32
    %dma_wait3A_23 = tpu.memref_slice %arg7[%dma_wait3A, %dma_wait3A_22] : memref<50x200xi32, #tpu.memory_space<vmem>> -> memref<1x200xi32, #tpu.memory_space<vmem>>
    %dma_wait3A_24 = tpu.memref_squeeze %dma_wait3A_23 : memref<1x200xi32, #tpu.memory_space<vmem>> -> memref<200xi32, #tpu.memory_space<vmem>>
    %dma_wait3A_25 = arith.constant 0 : i32
    %dma_wait3A_26 = arith.constant 0 : i32
    %dma_wait3A_27 = tpu.memref_slice %arg13[%dma_wait3A_25, %dma_wait3A_26] : memref<10240x64xf32, #tpu.memory_space<vmem_shared>> -> memref<10240x64xf32, #tpu.memory_space<vmem_shared>>
    tpu.wait_indirect_dma semaphore(%arg21 : memref<!tpu.dma_semaphore, #tpu.memory_space<semaphore_mem>>) src(%arg10 : memref<200x64xf32, #tpu.memory_space<vmem>>) dst(%dma_wait3A_27 : memref<10240x64xf32, #tpu.memory_space<vmem_shared>>)
    %dma_wait3A_28 = arith.constant 48 : i32
    %dma_wait3A_29 = arith.constant 0 : i32
    %dma_wait3A_30 = tpu.memref_slice %arg7[%dma_wait3A_28, %dma_wait3A_29] : memref<50x200xi32, #tpu.memory_space<vmem>> -> memref<1x200xi32, #tpu.memory_space<vmem>>
    %dma_wait3A_31 = tpu.memref_squeeze %dma_wait3A_30 : memref<1x200xi32, #tpu.memory_space<vmem>> -> memref<200xi32, #tpu.memory_space<vmem>>
    %dma_wait3A_32 = arith.constant 0 : i32
    %dma_wait3A_33 = arith.constant 0 : i32
    %dma_wait3A_34 = tpu.memref_slice %arg13[%dma_wait3A_32, %dma_wait3A_33] : memref<10240x64xf32, #tpu.memory_space<vmem_shared>> -> memref<10240x64xf32, #tpu.memory_space<vmem_shared>>
    tpu.wait_indirect_dma semaphore(%arg22 : memref<!tpu.dma_semaphore, #tpu.memory_space<semaphore_mem>>) src(%arg11 : memref<200x64xf32, #tpu.memory_space<vmem>>) dst(%dma_wait3A_34 : memref<10240x64xf32, #tpu.memory_space<vmem_shared>>)
    %dma_wait3A_35 = arith.constant 49 : i32
    %dma_wait3A_36 = arith.constant 0 : i32
    %dma_wait3A_37 = tpu.memref_slice %arg7[%dma_wait3A_35, %dma_wait3A_36] : memref<50x200xi32, #tpu.memory_space<vmem>> -> memref<1x200xi32, #tpu.memory_space<vmem>>
    %dma_wait3A_38 = tpu.memref_squeeze %dma_wait3A_37 : memref<1x200xi32, #tpu.memory_space<vmem>> -> memref<200xi32, #tpu.memory_space<vmem>>
    %dma_wait3A_39 = arith.constant 0 : i32
    %dma_wait3A_40 = arith.constant 0 : i32
    %dma_wait3A_41 = tpu.memref_slice %arg13[%dma_wait3A_39, %dma_wait3A_40] : memref<10240x64xf32, #tpu.memory_space<vmem_shared>> -> memref<10240x64xf32, #tpu.memory_space<vmem_shared>>
    tpu.wait_indirect_dma semaphore(%arg23 : memref<!tpu.dma_semaphore, #tpu.memory_space<semaphore_mem>>) src(%arg12 : memref<200x64xf32, #tpu.memory_space<vmem>>) dst(%dma_wait3A_41 : memref<10240x64xf32, #tpu.memory_space<vmem_shared>>)
    %barrier3A_42 = arith.constant 0 : index
    tpu.barrier barrier_id(%barrier3A_42)
    "tpu.region"() ({
      %run_scoped3A_43 = tpu.sem_alloc : memref<!tpu.dma_semaphore, #tpu.memory_space<semaphore_mem>>
      %dma_start3A_44 = arith.constant 0 : i32
      %dma_start3A_45 = tpu.memref_slice %arg5[%arg0, %mul3A_2, %dma_start3A_44] : memref<2x10240x64xf32, #tpu.memory_space<hbm>> -> memref<1x640x64xf32, #tpu.memory_space<hbm>>
      %dma_start3A_46 = tpu.memref_squeeze %dma_start3A_45 : memref<1x640x64xf32, #tpu.memory_space<hbm>> -> memref<640x64xf32, #tpu.memory_space<hbm>>
      %dma_start3A_47 = arith.constant 0 : i32
      %dma_start3A_48 = tpu.memref_slice %arg13[%mul3A_2, %dma_start3A_47] : memref<10240x64xf32, #tpu.memory_space<vmem_shared>> -> memref<640x64xf32, #tpu.memory_space<vmem_shared>>
      tpu.enqueue_dma source(%dma_start3A_48 : memref<640x64xf32, #tpu.memory_space<vmem_shared>>) target(%dma_start3A_46 : memref<640x64xf32, #tpu.memory_space<hbm>>) target_semaphore(%run_scoped3A_43 : memref<!tpu.dma_semaphore, #tpu.memory_space<semaphore_mem>>)
      %dma_wait3A_49 = arith.constant 0 : i32
      %dma_wait3A_50 = tpu.memref_slice %arg5[%arg0, %mul3A_2, %dma_wait3A_49] : memref<2x10240x64xf32, #tpu.memory_space<hbm>> -> memref<1x640x64xf32, #tpu.memory_space<hbm>>
      %dma_wait3A_51 = tpu.memref_squeeze %dma_wait3A_50 : memref<1x640x64xf32, #tpu.memory_space<hbm>> -> memref<640x64xf32, #tpu.memory_space<hbm>>
      %dma_wait3A_52 = arith.constant 0 : i32
      %dma_wait3A_53 = tpu.memref_slice %arg13[%mul3A_2, %dma_wait3A_52] : memref<10240x64xf32, #tpu.memory_space<vmem_shared>> -> memref<640x64xf32, #tpu.memory_space<vmem_shared>>
      tpu.wait_dma2 semaphore(%run_scoped3A_43 : memref<!tpu.dma_semaphore, #tpu.memory_space<semaphore_mem>>) src(%dma_wait3A_53 : memref<640x64xf32, #tpu.memory_space<vmem_shared>>) dst(%dma_wait3A_51 : memref<640x64xf32, #tpu.memory_space<hbm>>)
      tpu.yield
    }) : () -> ()
    return
  }
}

#map = affine_map<(d0, d1) -> (0, 0)>
#map1 = affine_map<(d0, d1) -> (0, 0, 0, 0)>
#map2 = affine_map<(d0, d1) -> (0, 0, 0)>
module attributes {stable_mosaic.version = 14 : i64} {
  func.func @seg_kernel(%arg0: i32, %arg1: i32, %arg2: memref<10000x64xf32, #tpu.memory_space<hbm>>, %arg3: memref<2x32x50x200xi32, #tpu.memory_space<hbm>>, %arg4: memref<10240x64xf32, #tpu.memory_space<hbm>>, %arg5: memref<2x10240x64xf32, #tpu.memory_space<hbm>>, %arg6: memref<50x200xi32, #tpu.memory_space<vmem>>, %arg7: memref<50x200xi32, #tpu.memory_space<vmem>>, %arg8: memref<200x64xf32, #tpu.memory_space<vmem>>, %arg9: memref<200x64xf32, #tpu.memory_space<vmem>>, %arg10: memref<200x64xf32, #tpu.memory_space<vmem>>, %arg11: memref<200x64xf32, #tpu.memory_space<vmem>>, %arg12: memref<200x64xf32, #tpu.memory_space<vmem>>, %arg13: memref<10240x64xf32, #tpu.memory_space<vmem_shared>>, %arg14: memref<!tpu.dma_semaphore, #tpu.memory_space<semaphore_mem>>, %arg15: memref<!tpu.dma_semaphore, #tpu.memory_space<semaphore_mem>>, %arg16: memref<!tpu.dma_semaphore, #tpu.memory_space<semaphore_mem>>, %arg17: memref<!tpu.dma_semaphore, #tpu.memory_space<semaphore_mem>>, %arg18: memref<!tpu.dma_semaphore, #tpu.memory_space<semaphore_mem>>, %arg19: memref<!tpu.dma_semaphore, #tpu.memory_space<semaphore_mem>>, %arg20: memref<!tpu.dma_semaphore, #tpu.memory_space<semaphore_mem>>, %arg21: memref<!tpu.dma_semaphore, #tpu.memory_space<semaphore_mem>>, %arg22: memref<!tpu.dma_semaphore, #tpu.memory_space<semaphore_mem>>, %arg23: memref<!tpu.dma_semaphore, #tpu.memory_space<semaphore_mem>>) attributes {dimension_semantics = [#tpu.dimension_semantics<core_parallel>, #tpu.dimension_semantics<subcore_parallel>], iteration_bounds = array<i64: 2, 16>, scalar_prefetch = 0 : i64, scratch_operands = 18 : i64, tpu.core_type = #tpu.core_type<sc_vector_subcore>, window_params = [{transform_indices = #map}, {transform_indices = #map1}, {transform_indices = #map}, {transform_indices = #map2}]} {
    %mul3A = arith.constant 2 : i32
    %mul3A_0 = arith.muli %arg1, %mul3A : i32
    %add3A = arith.addi %mul3A_0, %arg0 : i32
    %mul3A_1 = arith.constant 640 : i32
    %mul3A_2 = arith.muli %arg1, %mul3A_1 : i32
    "tpu.region"() ({
      %run_scoped3A_43 = tpu.sem_alloc : memref<!tpu.dma_semaphore, #tpu.memory_space<semaphore_mem>>
      %dma_start3A_44 = arith.constant 0 : i32
      %dma_start3A_45 = tpu.memref_slice %arg13[%mul3A_2, %dma_start3A_44] : memref<10240x64xf32, #tpu.memory_space<vmem_shared>> -> memref<640x64xf32, #tpu.memory_space<vmem_shared>>
      %dma_start3A_46 = arith.constant 0 : i32
      %dma_start3A_47 = tpu.memref_slice %arg4[%mul3A_2, %dma_start3A_46] : memref<10240x64xf32, #tpu.memory_space<hbm>> -> memref<640x64xf32, #tpu.memory_space<hbm>>
      tpu.enqueue_dma source(%dma_start3A_47 : memref<640x64xf32, #tpu.memory_space<hbm>>) target(%dma_start3A_45 : memref<640x64xf32, #tpu.memory_space<vmem_shared>>) target_semaphore(%run_scoped3A_43 : memref<!tpu.dma_semaphore, #tpu.memory_space<semaphore_mem>>)
      %dma_wait3A_48 = arith.constant 0 : i32
      %dma_wait3A_49 = tpu.memref_slice %arg13[%mul3A_2, %dma_wait3A_48] : memref<10240x64xf32, #tpu.memory_space<vmem_shared>> -> memref<640x64xf32, #tpu.memory_space<vmem_shared>>
      %dma_wait3A_50 = arith.constant 0 : i32
      %dma_wait3A_51 = tpu.memref_slice %arg4[%mul3A_2, %dma_wait3A_50] : memref<10240x64xf32, #tpu.memory_space<hbm>> -> memref<640x64xf32, #tpu.memory_space<hbm>>
      tpu.wait_dma2 semaphore(%run_scoped3A_43 : memref<!tpu.dma_semaphore, #tpu.memory_space<semaphore_mem>>) src(%dma_wait3A_51 : memref<640x64xf32, #tpu.memory_space<hbm>>) dst(%dma_wait3A_49 : memref<640x64xf32, #tpu.memory_space<vmem_shared>>)
      tpu.yield
    }) : () -> ()
    %run_scoped3A = arith.constant 0 : i32
    "tpu.region"() ({
      %run_scoped3A_43 = tpu.sem_alloc : memref<!tpu.dma_semaphore, #tpu.memory_space<semaphore_mem>>
      %dma_start3A_44 = arith.constant 0 : i32
      %dma_start3A_45 = arith.constant 0 : i32
      %dma_start3A_46 = tpu.memref_slice %arg3[%run_scoped3A, %add3A, %dma_start3A_44, %dma_start3A_45] : memref<2x32x50x200xi32, #tpu.memory_space<hbm>> -> memref<1x1x50x200xi32, #tpu.memory_space<hbm>>
      %dma_start3A_47 = tpu.memref_squeeze %dma_start3A_46 : memref<1x1x50x200xi32, #tpu.memory_space<hbm>> -> memref<50x200xi32, #tpu.memory_space<hbm>>
      %dma_start3A_48 = arith.constant 0 : i32
      %dma_start3A_49 = arith.constant 0 : i32
      %dma_start3A_50 = tpu.memref_slice %arg3[%run_scoped3A, %add3A, %dma_start3A_48, %dma_start3A_49] : memref<2x32x50x200xi32, #tpu.memory_space<hbm>> -> memref<1x1x50x200xi32, #tpu.memory_space<hbm>>
      %dma_start3A_51 = tpu.memref_squeeze %dma_start3A_50 : memref<1x1x50x200xi32, #tpu.memory_space<hbm>> -> memref<50x200xi32, #tpu.memory_space<hbm>>
      tpu.enqueue_dma source(%dma_start3A_51 : memref<50x200xi32, #tpu.memory_space<hbm>>) target(%arg6 : memref<50x200xi32, #tpu.memory_space<vmem>>) target_semaphore(%run_scoped3A_43 : memref<!tpu.dma_semaphore, #tpu.memory_space<semaphore_mem>>)
      %dma_wait3A_52 = arith.constant 0 : i32
      %dma_wait3A_53 = arith.constant 0 : i32
      %dma_wait3A_54 = tpu.memref_slice %arg3[%run_scoped3A, %add3A, %dma_wait3A_52, %dma_wait3A_53] : memref<2x32x50x200xi32, #tpu.memory_space<hbm>> -> memref<1x1x50x200xi32, #tpu.memory_space<hbm>>
      %dma_wait3A_55 = tpu.memref_squeeze %dma_wait3A_54 : memref<1x1x50x200xi32, #tpu.memory_space<hbm>> -> memref<50x200xi32, #tpu.memory_space<hbm>>
      %dma_wait3A_56 = arith.constant 0 : i32
      %dma_wait3A_57 = arith.constant 0 : i32
      %dma_wait3A_58 = tpu.memref_slice %arg3[%run_scoped3A, %add3A, %dma_wait3A_56, %dma_wait3A_57] : memref<2x32x50x200xi32, #tpu.memory_space<hbm>> -> memref<1x1x50x200xi32, #tpu.memory_space<hbm>>
      %dma_wait3A_59 = tpu.memref_squeeze %dma_wait3A_58 : memref<1x1x50x200xi32, #tpu.memory_space<hbm>> -> memref<50x200xi32, #tpu.memory_space<hbm>>
      tpu.wait_dma2 semaphore(%run_scoped3A_43 : memref<!tpu.dma_semaphore, #tpu.memory_space<semaphore_mem>>) src(%dma_wait3A_59 : memref<50x200xi32, #tpu.memory_space<hbm>>) dst(%arg6 : memref<50x200xi32, #tpu.memory_space<vmem>>)
      tpu.yield
    }) : () -> ()
    %run_scoped3A_3 = arith.constant 1 : i32
    "tpu.region"() ({
      %run_scoped3A_43 = tpu.sem_alloc : memref<!tpu.dma_semaphore, #tpu.memory_space<semaphore_mem>>
      %dma_start3A_44 = arith.constant 0 : i32
      %dma_start3A_45 = arith.constant 0 : i32
      %dma_start3A_46 = tpu.memref_slice %arg3[%run_scoped3A_3, %add3A, %dma_start3A_44, %dma_start3A_45] : memref<2x32x50x200xi32, #tpu.memory_space<hbm>> -> memref<1x1x50x200xi32, #tpu.memory_space<hbm>>
      %dma_start3A_47 = tpu.memref_squeeze %dma_start3A_46 : memref<1x1x50x200xi32, #tpu.memory_space<hbm>> -> memref<50x200xi32, #tpu.memory_space<hbm>>
      %dma_start3A_48 = arith.constant 0 : i32
      %dma_start3A_49 = arith.constant 0 : i32
      %dma_start3A_50 = tpu.memref_slice %arg3[%run_scoped3A_3, %add3A, %dma_start3A_48, %dma_start3A_49] : memref<2x32x50x200xi32, #tpu.memory_space<hbm>> -> memref<1x1x50x200xi32, #tpu.memory_space<hbm>>
      %dma_start3A_51 = tpu.memref_squeeze %dma_start3A_50 : memref<1x1x50x200xi32, #tpu.memory_space<hbm>> -> memref<50x200xi32, #tpu.memory_space<hbm>>
      tpu.enqueue_dma source(%dma_start3A_51 : memref<50x200xi32, #tpu.memory_space<hbm>>) target(%arg7 : memref<50x200xi32, #tpu.memory_space<vmem>>) target_semaphore(%run_scoped3A_43 : memref<!tpu.dma_semaphore, #tpu.memory_space<semaphore_mem>>)
      %dma_wait3A_52 = arith.constant 0 : i32
      %dma_wait3A_53 = arith.constant 0 : i32
      %dma_wait3A_54 = tpu.memref_slice %arg3[%run_scoped3A_3, %add3A, %dma_wait3A_52, %dma_wait3A_53] : memref<2x32x50x200xi32, #tpu.memory_space<hbm>> -> memref<1x1x50x200xi32, #tpu.memory_space<hbm>>
      %dma_wait3A_55 = tpu.memref_squeeze %dma_wait3A_54 : memref<1x1x50x200xi32, #tpu.memory_space<hbm>> -> memref<50x200xi32, #tpu.memory_space<hbm>>
      %dma_wait3A_56 = arith.constant 0 : i32
      %dma_wait3A_57 = arith.constant 0 : i32
      %dma_wait3A_58 = tpu.memref_slice %arg3[%run_scoped3A_3, %add3A, %dma_wait3A_56, %dma_wait3A_57] : memref<2x32x50x200xi32, #tpu.memory_space<hbm>> -> memref<1x1x50x200xi32, #tpu.memory_space<hbm>>
      %dma_wait3A_59 = tpu.memref_squeeze %dma_wait3A_58 : memref<1x1x50x200xi32, #tpu.memory_space<hbm>> -> memref<50x200xi32, #tpu.memory_space<hbm>>
      tpu.wait_dma2 semaphore(%run_scoped3A_43 : memref<!tpu.dma_semaphore, #tpu.memory_space<semaphore_mem>>) src(%dma_wait3A_59 : memref<50x200xi32, #tpu.memory_space<hbm>>) dst(%arg7 : memref<50x200xi32, #tpu.memory_space<vmem>>)
      tpu.yield
    }) : () -> ()
    %barrier3A = arith.constant 0 : index
    tpu.barrier barrier_id(%barrier3A)
    %dma_start3A = arith.constant 0 : i32
    %dma_start3A_4 = arith.constant 0 : i32
    %dma_start3A_5 = tpu.memref_slice %arg6[%dma_start3A, %dma_start3A_4] : memref<50x200xi32, #tpu.memory_space<vmem>> -> memref<1x200xi32, #tpu.memory_space<vmem>>
    %dma_start3A_6 = tpu.memref_squeeze %dma_start3A_5 : memref<1x200xi32, #tpu.memory_space<vmem>> -> memref<200xi32, #tpu.memory_space<vmem>>
    %dma_start3A_7 = arith.constant 0 : i32
    %dma_start3A_8 = arith.constant 0 : i32
    %dma_start3A_9 = tpu.memref_slice %arg2[%dma_start3A_7, %dma_start3A_8] : memref<10000x64xf32, #tpu.memory_space<hbm>> -> memref<10000x64xf32, #tpu.memory_space<hbm>>
    tpu.enqueue_indirect_dma source(%dma_start3A_9 : memref<10000x64xf32, #tpu.memory_space<hbm>>) target(%arg8 : memref<200x64xf32, #tpu.memory_space<vmem>>) offsets(%dma_start3A_6 : memref<200xi32, #tpu.memory_space<vmem>>) semaphore(%arg14 : memref<!tpu.dma_semaphore, #tpu.memory_space<semaphore_mem>>)
    %dma_start3A_10 = arith.constant 1 : i32
    %dma_start3A_11 = arith.constant 0 : i32
    %dma_start3A_12 = tpu.memref_slice %arg6[%dma_start3A_10, %dma_start3A_11] : memref<50x200xi32, #tpu.memory_space<vmem>> -> memref<1x200xi32, #tpu.memory_space<vmem>>
    %dma_start3A_13 = tpu.memref_squeeze %dma_start3A_12 : memref<1x200xi32, #tpu.memory_space<vmem>> -> memref<200xi32, #tpu.memory_space<vmem>>
    %dma_start3A_14 = arith.constant 0 : i32
    %dma_start3A_15 = arith.constant 0 : i32
    %dma_start3A_16 = tpu.memref_slice %arg2[%dma_start3A_14, %dma_start3A_15] : memref<10000x64xf32, #tpu.memory_space<hbm>> -> memref<10000x64xf32, #tpu.memory_space<hbm>>
    tpu.enqueue_indirect_dma source(%dma_start3A_16 : memref<10000x64xf32, #tpu.memory_space<hbm>>) target(%arg9 : memref<200x64xf32, #tpu.memory_space<vmem>>) offsets(%dma_start3A_13 : memref<200xi32, #tpu.memory_space<vmem>>) semaphore(%arg15 : memref<!tpu.dma_semaphore, #tpu.memory_space<semaphore_mem>>)
    %scan3A = arith.constant 0 : i32
    %scan3A_17 = arith.constant 0 : i32
    %scan3A_18 = arith.constant 10 : i32
    %scan3A_19 = arith.addi %scan3A_17, %scan3A_18 : i32
    %scan3A_20 = arith.constant 1 : i32
    scf.for %scan3A_43 = %scan3A_17 to %scan3A_19 step %scan3A_20  : i32 {
      %mul3A_44 = arith.constant 5 : i32
      %mul3A_45 = arith.muli %mul3A_44, %scan3A_43 : i32
      %add3A_46 = arith.constant 0 : i32
      %add3A_47 = arith.addi %mul3A_45, %add3A_46 : i32
      %dma_wait3A_48 = arith.constant 0 : i32
      %dma_wait3A_49 = tpu.memref_slice %arg6[%add3A_47, %dma_wait3A_48] : memref<50x200xi32, #tpu.memory_space<vmem>> -> memref<1x200xi32, #tpu.memory_space<vmem>>
      %dma_wait3A_50 = tpu.memref_squeeze %dma_wait3A_49 : memref<1x200xi32, #tpu.memory_space<vmem>> -> memref<200xi32, #tpu.memory_space<vmem>>
      %dma_wait3A_51 = arith.constant 0 : i32
      %dma_wait3A_52 = arith.constant 0 : i32
      %dma_wait3A_53 = tpu.memref_slice %arg2[%dma_wait3A_51, %dma_wait3A_52] : memref<10000x64xf32, #tpu.memory_space<hbm>> -> memref<10000x64xf32, #tpu.memory_space<hbm>>
      tpu.wait_indirect_dma semaphore(%arg14 : memref<!tpu.dma_semaphore, #tpu.memory_space<semaphore_mem>>) src(%dma_wait3A_53 : memref<10000x64xf32, #tpu.memory_space<hbm>>) dst(%arg8 : memref<200x64xf32, #tpu.memory_space<vmem>>)
      %dma_start3A_54 = arith.constant 0 : i32
      %dma_start3A_55 = tpu.memref_slice %arg7[%add3A_47, %dma_start3A_54] : memref<50x200xi32, #tpu.memory_space<vmem>> -> memref<1x200xi32, #tpu.memory_space<vmem>>
      %dma_start3A_56 = tpu.memref_squeeze %dma_start3A_55 : memref<1x200xi32, #tpu.memory_space<vmem>> -> memref<200xi32, #tpu.memory_space<vmem>>
      %dma_start3A_57 = arith.constant 0 : i32
      %dma_start3A_58 = arith.constant 0 : i32
      %dma_start3A_59 = tpu.memref_slice %arg13[%dma_start3A_57, %dma_start3A_58] : memref<10240x64xf32, #tpu.memory_space<vmem_shared>> -> memref<10240x64xf32, #tpu.memory_space<vmem_shared>>
      tpu.enqueue_indirect_dma source(%arg8 : memref<200x64xf32, #tpu.memory_space<vmem>>) target(%dma_start3A_59 : memref<10240x64xf32, #tpu.memory_space<vmem_shared>>) offsets(%dma_start3A_56 : memref<200xi32, #tpu.memory_space<vmem>>) semaphore(%arg19 : memref<!tpu.dma_semaphore, #tpu.memory_space<semaphore_mem>>) {add = true}
      %sub3A = arith.constant 3 : i32
      %sub3A_60 = arith.subi %add3A_47, %sub3A : i32
      %ge3A = arith.constant 0 : i32
      %ge3A_61 = arith.cmpi sge, %sub3A_60, %ge3A : i32
      %convert_element_type3A = arith.extui %ge3A_61 : i1 to i32
      %cond3A = arith.constant 0 : i32
      %cond3A_62 = arith.cmpi ne, %convert_element_type3A, %cond3A : i32
      scf.if %cond3A_62 {
        %dma_wait3A_181 = arith.constant 0 : i32
        %dma_wait3A_182 = tpu.memref_slice %arg7[%sub3A_60, %dma_wait3A_181] : memref<50x200xi32, #tpu.memory_space<vmem>> -> memref<1x200xi32, #tpu.memory_space<vmem>>
        %dma_wait3A_183 = tpu.memref_squeeze %dma_wait3A_182 : memref<1x200xi32, #tpu.memory_space<vmem>> -> memref<200xi32, #tpu.memory_space<vmem>>
        %dma_wait3A_184 = arith.constant 0 : i32
        %dma_wait3A_185 = arith.constant 0 : i32
        %dma_wait3A_186 = tpu.memref_slice %arg13[%dma_wait3A_184, %dma_wait3A_185] : memref<10240x64xf32, #tpu.memory_space<vmem_shared>> -> memref<10240x64xf32, #tpu.memory_space<vmem_shared>>
        tpu.wait_indirect_dma semaphore(%arg21 : memref<!tpu.dma_semaphore, #tpu.memory_space<semaphore_mem>>) src(%arg10 : memref<200x64xf32, #tpu.memory_space<vmem>>) dst(%dma_wait3A_186 : memref<10240x64xf32, #tpu.memory_space<vmem_shared>>)
      } else {
      }
      %add3A_63 = arith.constant 2 : i32
      %add3A_64 = arith.addi %add3A_47, %add3A_63 : i32
      %lt3A = arith.constant 50 : i32
      %lt3A_65 = arith.cmpi slt, %add3A_64, %lt3A : i32
      %convert_element_type3A_66 = arith.extui %lt3A_65 : i1 to i32
      %cond3A_67 = arith.constant 0 : i32
      %cond3A_68 = arith.cmpi ne, %convert_element_type3A_66, %cond3A_67 : i32
      scf.if %cond3A_68 {
        %add3A_181 = arith.constant 2 : i32
        %add3A_182 = arith.addi %add3A_47, %add3A_181 : i32
        %dma_start3A_183 = arith.constant 0 : i32
        %dma_start3A_184 = tpu.memref_slice %arg6[%add3A_182, %dma_start3A_183] : memref<50x200xi32, #tpu.memory_space<vmem>> -> memref<1x200xi32, #tpu.memory_space<vmem>>
        %dma_start3A_185 = tpu.memref_squeeze %dma_start3A_184 : memref<1x200xi32, #tpu.memory_space<vmem>> -> memref<200xi32, #tpu.memory_space<vmem>>
        %dma_start3A_186 = arith.constant 0 : i32
        %dma_start3A_187 = arith.constant 0 : i32
        %dma_start3A_188 = tpu.memref_slice %arg2[%dma_start3A_186, %dma_start3A_187] : memref<10000x64xf32, #tpu.memory_space<hbm>> -> memref<10000x64xf32, #tpu.memory_space<hbm>>
        tpu.enqueue_indirect_dma source(%dma_start3A_188 : memref<10000x64xf32, #tpu.memory_space<hbm>>) target(%arg10 : memref<200x64xf32, #tpu.memory_space<vmem>>) offsets(%dma_start3A_185 : memref<200xi32, #tpu.memory_space<vmem>>) semaphore(%arg16 : memref<!tpu.dma_semaphore, #tpu.memory_space<semaphore_mem>>)
      } else {
      }
      %add3A_69 = arith.constant 1 : i32
      %add3A_70 = arith.addi %mul3A_45, %add3A_69 : i32
      %dma_wait3A_71 = arith.constant 0 : i32
      %dma_wait3A_72 = tpu.memref_slice %arg6[%add3A_70, %dma_wait3A_71] : memref<50x200xi32, #tpu.memory_space<vmem>> -> memref<1x200xi32, #tpu.memory_space<vmem>>
      %dma_wait3A_73 = tpu.memref_squeeze %dma_wait3A_72 : memref<1x200xi32, #tpu.memory_space<vmem>> -> memref<200xi32, #tpu.memory_space<vmem>>
      %dma_wait3A_74 = arith.constant 0 : i32
      %dma_wait3A_75 = arith.constant 0 : i32
      %dma_wait3A_76 = tpu.memref_slice %arg2[%dma_wait3A_74, %dma_wait3A_75] : memref<10000x64xf32, #tpu.memory_space<hbm>> -> memref<10000x64xf32, #tpu.memory_space<hbm>>
      tpu.wait_indirect_dma semaphore(%arg15 : memref<!tpu.dma_semaphore, #tpu.memory_space<semaphore_mem>>) src(%dma_wait3A_76 : memref<10000x64xf32, #tpu.memory_space<hbm>>) dst(%arg9 : memref<200x64xf32, #tpu.memory_space<vmem>>)
      %dma_start3A_77 = arith.constant 0 : i32
      %dma_start3A_78 = tpu.memref_slice %arg7[%add3A_70, %dma_start3A_77] : memref<50x200xi32, #tpu.memory_space<vmem>> -> memref<1x200xi32, #tpu.memory_space<vmem>>
      %dma_start3A_79 = tpu.memref_squeeze %dma_start3A_78 : memref<1x200xi32, #tpu.memory_space<vmem>> -> memref<200xi32, #tpu.memory_space<vmem>>
      %dma_start3A_80 = arith.constant 0 : i32
      %dma_start3A_81 = arith.constant 0 : i32
      %dma_start3A_82 = tpu.memref_slice %arg13[%dma_start3A_80, %dma_start3A_81] : memref<10240x64xf32, #tpu.memory_space<vmem_shared>> -> memref<10240x64xf32, #tpu.memory_space<vmem_shared>>
      tpu.enqueue_indirect_dma source(%arg9 : memref<200x64xf32, #tpu.memory_space<vmem>>) target(%dma_start3A_82 : memref<10240x64xf32, #tpu.memory_space<vmem_shared>>) offsets(%dma_start3A_79 : memref<200xi32, #tpu.memory_space<vmem>>) semaphore(%arg20 : memref<!tpu.dma_semaphore, #tpu.memory_space<semaphore_mem>>) {add = true}
      %sub3A_83 = arith.constant 3 : i32
      %sub3A_84 = arith.subi %add3A_70, %sub3A_83 : i32
      %ge3A_85 = arith.constant 0 : i32
      %ge3A_86 = arith.cmpi sge, %sub3A_84, %ge3A_85 : i32
      %convert_element_type3A_87 = arith.extui %ge3A_86 : i1 to i32
      %cond3A_88 = arith.constant 0 : i32
      %cond3A_89 = arith.cmpi ne, %convert_element_type3A_87, %cond3A_88 : i32
      scf.if %cond3A_89 {
        %dma_wait3A_181 = arith.constant 0 : i32
        %dma_wait3A_182 = tpu.memref_slice %arg7[%sub3A_84, %dma_wait3A_181] : memref<50x200xi32, #tpu.memory_space<vmem>> -> memref<1x200xi32, #tpu.memory_space<vmem>>
        %dma_wait3A_183 = tpu.memref_squeeze %dma_wait3A_182 : memref<1x200xi32, #tpu.memory_space<vmem>> -> memref<200xi32, #tpu.memory_space<vmem>>
        %dma_wait3A_184 = arith.constant 0 : i32
        %dma_wait3A_185 = arith.constant 0 : i32
        %dma_wait3A_186 = tpu.memref_slice %arg13[%dma_wait3A_184, %dma_wait3A_185] : memref<10240x64xf32, #tpu.memory_space<vmem_shared>> -> memref<10240x64xf32, #tpu.memory_space<vmem_shared>>
        tpu.wait_indirect_dma semaphore(%arg22 : memref<!tpu.dma_semaphore, #tpu.memory_space<semaphore_mem>>) src(%arg11 : memref<200x64xf32, #tpu.memory_space<vmem>>) dst(%dma_wait3A_186 : memref<10240x64xf32, #tpu.memory_space<vmem_shared>>)
      } else {
      }
      %add3A_90 = arith.constant 2 : i32
      %add3A_91 = arith.addi %add3A_70, %add3A_90 : i32
      %lt3A_92 = arith.constant 50 : i32
      %lt3A_93 = arith.cmpi slt, %add3A_91, %lt3A_92 : i32
      %convert_element_type3A_94 = arith.extui %lt3A_93 : i1 to i32
      %cond3A_95 = arith.constant 0 : i32
      %cond3A_96 = arith.cmpi ne, %convert_element_type3A_94, %cond3A_95 : i32
      scf.if %cond3A_96 {
        %add3A_181 = arith.constant 2 : i32
        %add3A_182 = arith.addi %add3A_70, %add3A_181 : i32
        %dma_start3A_183 = arith.constant 0 : i32
        %dma_start3A_184 = tpu.memref_slice %arg6[%add3A_182, %dma_start3A_183] : memref<50x200xi32, #tpu.memory_space<vmem>> -> memref<1x200xi32, #tpu.memory_space<vmem>>
        %dma_start3A_185 = tpu.memref_squeeze %dma_start3A_184 : memref<1x200xi32, #tpu.memory_space<vmem>> -> memref<200xi32, #tpu.memory_space<vmem>>
        %dma_start3A_186 = arith.constant 0 : i32
        %dma_start3A_187 = arith.constant 0 : i32
        %dma_start3A_188 = tpu.memref_slice %arg2[%dma_start3A_186, %dma_start3A_187] : memref<10000x64xf32, #tpu.memory_space<hbm>> -> memref<10000x64xf32, #tpu.memory_space<hbm>>
        tpu.enqueue_indirect_dma source(%dma_start3A_188 : memref<10000x64xf32, #tpu.memory_space<hbm>>) target(%arg11 : memref<200x64xf32, #tpu.memory_space<vmem>>) offsets(%dma_start3A_185 : memref<200xi32, #tpu.memory_space<vmem>>) semaphore(%arg17 : memref<!tpu.dma_semaphore, #tpu.memory_space<semaphore_mem>>)
      } else {
      }
      %add3A_97 = arith.constant 2 : i32
      %add3A_98 = arith.addi %mul3A_45, %add3A_97 : i32
      %dma_wait3A_99 = arith.constant 0 : i32
      %dma_wait3A_100 = tpu.memref_slice %arg6[%add3A_98, %dma_wait3A_99] : memref<50x200xi32, #tpu.memory_space<vmem>> -> memref<1x200xi32, #tpu.memory_space<vmem>>
      %dma_wait3A_101 = tpu.memref_squeeze %dma_wait3A_100 : memref<1x200xi32, #tpu.memory_space<vmem>> -> memref<200xi32, #tpu.memory_space<vmem>>
      %dma_wait3A_102 = arith.constant 0 : i32
      %dma_wait3A_103 = arith.constant 0 : i32
      %dma_wait3A_104 = tpu.memref_slice %arg2[%dma_wait3A_102, %dma_wait3A_103] : memref<10000x64xf32, #tpu.memory_space<hbm>> -> memref<10000x64xf32, #tpu.memory_space<hbm>>
      tpu.wait_indirect_dma semaphore(%arg16 : memref<!tpu.dma_semaphore, #tpu.memory_space<semaphore_mem>>) src(%dma_wait3A_104 : memref<10000x64xf32, #tpu.memory_space<hbm>>) dst(%arg10 : memref<200x64xf32, #tpu.memory_space<vmem>>)
      %dma_start3A_105 = arith.constant 0 : i32
      %dma_start3A_106 = tpu.memref_slice %arg7[%add3A_98, %dma_start3A_105] : memref<50x200xi32, #tpu.memory_space<vmem>> -> memref<1x200xi32, #tpu.memory_space<vmem>>
      %dma_start3A_107 = tpu.memref_squeeze %dma_start3A_106 : memref<1x200xi32, #tpu.memory_space<vmem>> -> memref<200xi32, #tpu.memory_space<vmem>>
      %dma_start3A_108 = arith.constant 0 : i32
      %dma_start3A_109 = arith.constant 0 : i32
      %dma_start3A_110 = tpu.memref_slice %arg13[%dma_start3A_108, %dma_start3A_109] : memref<10240x64xf32, #tpu.memory_space<vmem_shared>> -> memref<10240x64xf32, #tpu.memory_space<vmem_shared>>
      tpu.enqueue_indirect_dma source(%arg10 : memref<200x64xf32, #tpu.memory_space<vmem>>) target(%dma_start3A_110 : memref<10240x64xf32, #tpu.memory_space<vmem_shared>>) offsets(%dma_start3A_107 : memref<200xi32, #tpu.memory_space<vmem>>) semaphore(%arg21 : memref<!tpu.dma_semaphore, #tpu.memory_space<semaphore_mem>>) {add = true}
      %sub3A_111 = arith.constant 3 : i32
      %sub3A_112 = arith.subi %add3A_98, %sub3A_111 : i32
      %ge3A_113 = arith.constant 0 : i32
      %ge3A_114 = arith.cmpi sge, %sub3A_112, %ge3A_113 : i32
      %convert_element_type3A_115 = arith.extui %ge3A_114 : i1 to i32
      %cond3A_116 = arith.constant 0 : i32
      %cond3A_117 = arith.cmpi ne, %convert_element_type3A_115, %cond3A_116 : i32
      scf.if %cond3A_117 {
        %dma_wait3A_181 = arith.constant 0 : i32
        %dma_wait3A_182 = tpu.memref_slice %arg7[%sub3A_112, %dma_wait3A_181] : memref<50x200xi32, #tpu.memory_space<vmem>> -> memref<1x200xi32, #tpu.memory_space<vmem>>
        %dma_wait3A_183 = tpu.memref_squeeze %dma_wait3A_182 : memref<1x200xi32, #tpu.memory_space<vmem>> -> memref<200xi32, #tpu.memory_space<vmem>>
        %dma_wait3A_184 = arith.constant 0 : i32
        %dma_wait3A_185 = arith.constant 0 : i32
        %dma_wait3A_186 = tpu.memref_slice %arg13[%dma_wait3A_184, %dma_wait3A_185] : memref<10240x64xf32, #tpu.memory_space<vmem_shared>> -> memref<10240x64xf32, #tpu.memory_space<vmem_shared>>
        tpu.wait_indirect_dma semaphore(%arg23 : memref<!tpu.dma_semaphore, #tpu.memory_space<semaphore_mem>>) src(%arg12 : memref<200x64xf32, #tpu.memory_space<vmem>>) dst(%dma_wait3A_186 : memref<10240x64xf32, #tpu.memory_space<vmem_shared>>)
      } else {
      }
      %add3A_118 = arith.constant 2 : i32
      %add3A_119 = arith.addi %add3A_98, %add3A_118 : i32
      %lt3A_120 = arith.constant 50 : i32
      %lt3A_121 = arith.cmpi slt, %add3A_119, %lt3A_120 : i32
      %convert_element_type3A_122 = arith.extui %lt3A_121 : i1 to i32
      %cond3A_123 = arith.constant 0 : i32
      %cond3A_124 = arith.cmpi ne, %convert_element_type3A_122, %cond3A_123 : i32
      scf.if %cond3A_124 {
        %add3A_181 = arith.constant 2 : i32
        %add3A_182 = arith.addi %add3A_98, %add3A_181 : i32
        %dma_start3A_183 = arith.constant 0 : i32
        %dma_start3A_184 = tpu.memref_slice %arg6[%add3A_182, %dma_start3A_183] : memref<50x200xi32, #tpu.memory_space<vmem>> -> memref<1x200xi32, #tpu.memory_space<vmem>>
        %dma_start3A_185 = tpu.memref_squeeze %dma_start3A_184 : memref<1x200xi32, #tpu.memory_space<vmem>> -> memref<200xi32, #tpu.memory_space<vmem>>
        %dma_start3A_186 = arith.constant 0 : i32
        %dma_start3A_187 = arith.constant 0 : i32
        %dma_start3A_188 = tpu.memref_slice %arg2[%dma_start3A_186, %dma_start3A_187] : memref<10000x64xf32, #tpu.memory_space<hbm>> -> memref<10000x64xf32, #tpu.memory_space<hbm>>
        tpu.enqueue_indirect_dma source(%dma_start3A_188 : memref<10000x64xf32, #tpu.memory_space<hbm>>) target(%arg12 : memref<200x64xf32, #tpu.memory_space<vmem>>) offsets(%dma_start3A_185 : memref<200xi32, #tpu.memory_space<vmem>>) semaphore(%arg18 : memref<!tpu.dma_semaphore, #tpu.memory_space<semaphore_mem>>)
      } else {
      }
      %add3A_125 = arith.constant 3 : i32
      %add3A_126 = arith.addi %mul3A_45, %add3A_125 : i32
      %dma_wait3A_127 = arith.constant 0 : i32
      %dma_wait3A_128 = tpu.memref_slice %arg6[%add3A_126, %dma_wait3A_127] : memref<50x200xi32, #tpu.memory_space<vmem>> -> memref<1x200xi32, #tpu.memory_space<vmem>>
      %dma_wait3A_129 = tpu.memref_squeeze %dma_wait3A_128 : memref<1x200xi32, #tpu.memory_space<vmem>> -> memref<200xi32, #tpu.memory_space<vmem>>
      %dma_wait3A_130 = arith.constant 0 : i32
      %dma_wait3A_131 = arith.constant 0 : i32
      %dma_wait3A_132 = tpu.memref_slice %arg2[%dma_wait3A_130, %dma_wait3A_131] : memref<10000x64xf32, #tpu.memory_space<hbm>> -> memref<10000x64xf32, #tpu.memory_space<hbm>>
      tpu.wait_indirect_dma semaphore(%arg17 : memref<!tpu.dma_semaphore, #tpu.memory_space<semaphore_mem>>) src(%dma_wait3A_132 : memref<10000x64xf32, #tpu.memory_space<hbm>>) dst(%arg11 : memref<200x64xf32, #tpu.memory_space<vmem>>)
      %dma_start3A_133 = arith.constant 0 : i32
      %dma_start3A_134 = tpu.memref_slice %arg7[%add3A_126, %dma_start3A_133] : memref<50x200xi32, #tpu.memory_space<vmem>> -> memref<1x200xi32, #tpu.memory_space<vmem>>
      %dma_start3A_135 = tpu.memref_squeeze %dma_start3A_134 : memref<1x200xi32, #tpu.memory_space<vmem>> -> memref<200xi32, #tpu.memory_space<vmem>>
      %dma_start3A_136 = arith.constant 0 : i32
      %dma_start3A_137 = arith.constant 0 : i32
      %dma_start3A_138 = tpu.memref_slice %arg13[%dma_start3A_136, %dma_start3A_137] : memref<10240x64xf32, #tpu.memory_space<vmem_shared>> -> memref<10240x64xf32, #tpu.memory_space<vmem_shared>>
      tpu.enqueue_indirect_dma source(%arg11 : memref<200x64xf32, #tpu.memory_space<vmem>>) target(%dma_start3A_138 : memref<10240x64xf32, #tpu.memory_space<vmem_shared>>) offsets(%dma_start3A_135 : memref<200xi32, #tpu.memory_space<vmem>>) semaphore(%arg22 : memref<!tpu.dma_semaphore, #tpu.memory_space<semaphore_mem>>) {add = true}
      %sub3A_139 = arith.constant 3 : i32
      %sub3A_140 = arith.subi %add3A_126, %sub3A_139 : i32
      %ge3A_141 = arith.constant 0 : i32
      %ge3A_142 = arith.cmpi sge, %sub3A_140, %ge3A_141 : i32
      %convert_element_type3A_143 = arith.extui %ge3A_142 : i1 to i32
      %cond3A_144 = arith.constant 0 : i32
      %cond3A_145 = arith.cmpi ne, %convert_element_type3A_143, %cond3A_144 : i32
      scf.if %cond3A_145 {
        %dma_wait3A_181 = arith.constant 0 : i32
        %dma_wait3A_182 = tpu.memref_slice %arg7[%sub3A_140, %dma_wait3A_181] : memref<50x200xi32, #tpu.memory_space<vmem>> -> memref<1x200xi32, #tpu.memory_space<vmem>>
        %dma_wait3A_183 = tpu.memref_squeeze %dma_wait3A_182 : memref<1x200xi32, #tpu.memory_space<vmem>> -> memref<200xi32, #tpu.memory_space<vmem>>
        %dma_wait3A_184 = arith.constant 0 : i32
        %dma_wait3A_185 = arith.constant 0 : i32
        %dma_wait3A_186 = tpu.memref_slice %arg13[%dma_wait3A_184, %dma_wait3A_185] : memref<10240x64xf32, #tpu.memory_space<vmem_shared>> -> memref<10240x64xf32, #tpu.memory_space<vmem_shared>>
        tpu.wait_indirect_dma semaphore(%arg19 : memref<!tpu.dma_semaphore, #tpu.memory_space<semaphore_mem>>) src(%arg8 : memref<200x64xf32, #tpu.memory_space<vmem>>) dst(%dma_wait3A_186 : memref<10240x64xf32, #tpu.memory_space<vmem_shared>>)
      } else {
      }
      %add3A_146 = arith.constant 2 : i32
      %add3A_147 = arith.addi %add3A_126, %add3A_146 : i32
      %lt3A_148 = arith.constant 50 : i32
      %lt3A_149 = arith.cmpi slt, %add3A_147, %lt3A_148 : i32
      %convert_element_type3A_150 = arith.extui %lt3A_149 : i1 to i32
      %cond3A_151 = arith.constant 0 : i32
      %cond3A_152 = arith.cmpi ne, %convert_element_type3A_150, %cond3A_151 : i32
      scf.if %cond3A_152 {
        %add3A_181 = arith.constant 2 : i32
        %add3A_182 = arith.addi %add3A_126, %add3A_181 : i32
        %dma_start3A_183 = arith.constant 0 : i32
        %dma_start3A_184 = tpu.memref_slice %arg6[%add3A_182, %dma_start3A_183] : memref<50x200xi32, #tpu.memory_space<vmem>> -> memref<1x200xi32, #tpu.memory_space<vmem>>
        %dma_start3A_185 = tpu.memref_squeeze %dma_start3A_184 : memref<1x200xi32, #tpu.memory_space<vmem>> -> memref<200xi32, #tpu.memory_space<vmem>>
        %dma_start3A_186 = arith.constant 0 : i32
        %dma_start3A_187 = arith.constant 0 : i32
        %dma_start3A_188 = tpu.memref_slice %arg2[%dma_start3A_186, %dma_start3A_187] : memref<10000x64xf32, #tpu.memory_space<hbm>> -> memref<10000x64xf32, #tpu.memory_space<hbm>>
        tpu.enqueue_indirect_dma source(%dma_start3A_188 : memref<10000x64xf32, #tpu.memory_space<hbm>>) target(%arg8 : memref<200x64xf32, #tpu.memory_space<vmem>>) offsets(%dma_start3A_185 : memref<200xi32, #tpu.memory_space<vmem>>) semaphore(%arg14 : memref<!tpu.dma_semaphore, #tpu.memory_space<semaphore_mem>>)
      } else {
      }
      %add3A_153 = arith.constant 4 : i32
      %add3A_154 = arith.addi %mul3A_45, %add3A_153 : i32
      %dma_wait3A_155 = arith.constant 0 : i32
      %dma_wait3A_156 = tpu.memref_slice %arg6[%add3A_154, %dma_wait3A_155] : memref<50x200xi32, #tpu.memory_space<vmem>> -> memref<1x200xi32, #tpu.memory_space<vmem>>
      %dma_wait3A_157 = tpu.memref_squeeze %dma_wait3A_156 : memref<1x200xi32, #tpu.memory_space<vmem>> -> memref<200xi32, #tpu.memory_space<vmem>>
      %dma_wait3A_158 = arith.constant 0 : i32
      %dma_wait3A_159 = arith.constant 0 : i32
      %dma_wait3A_160 = tpu.memref_slice %arg2[%dma_wait3A_158, %dma_wait3A_159] : memref<10000x64xf32, #tpu.memory_space<hbm>> -> memref<10000x64xf32, #tpu.memory_space<hbm>>
      tpu.wait_indirect_dma semaphore(%arg18 : memref<!tpu.dma_semaphore, #tpu.memory_space<semaphore_mem>>) src(%dma_wait3A_160 : memref<10000x64xf32, #tpu.memory_space<hbm>>) dst(%arg12 : memref<200x64xf32, #tpu.memory_space<vmem>>)
      %dma_start3A_161 = arith.constant 0 : i32
      %dma_start3A_162 = tpu.memref_slice %arg7[%add3A_154, %dma_start3A_161] : memref<50x200xi32, #tpu.memory_space<vmem>> -> memref<1x200xi32, #tpu.memory_space<vmem>>
      %dma_start3A_163 = tpu.memref_squeeze %dma_start3A_162 : memref<1x200xi32, #tpu.memory_space<vmem>> -> memref<200xi32, #tpu.memory_space<vmem>>
      %dma_start3A_164 = arith.constant 0 : i32
      %dma_start3A_165 = arith.constant 0 : i32
      %dma_start3A_166 = tpu.memref_slice %arg13[%dma_start3A_164, %dma_start3A_165] : memref<10240x64xf32, #tpu.memory_space<vmem_shared>> -> memref<10240x64xf32, #tpu.memory_space<vmem_shared>>
      tpu.enqueue_indirect_dma source(%arg12 : memref<200x64xf32, #tpu.memory_space<vmem>>) target(%dma_start3A_166 : memref<10240x64xf32, #tpu.memory_space<vmem_shared>>) offsets(%dma_start3A_163 : memref<200xi32, #tpu.memory_space<vmem>>) semaphore(%arg23 : memref<!tpu.dma_semaphore, #tpu.memory_space<semaphore_mem>>) {add = true}
      %sub3A_167 = arith.constant 3 : i32
      %sub3A_168 = arith.subi %add3A_154, %sub3A_167 : i32
      %ge3A_169 = arith.constant 0 : i32
      %ge3A_170 = arith.cmpi sge, %sub3A_168, %ge3A_169 : i32
      %convert_element_type3A_171 = arith.extui %ge3A_170 : i1 to i32
      %cond3A_172 = arith.constant 0 : i32
      %cond3A_173 = arith.cmpi ne, %convert_element_type3A_171, %cond3A_172 : i32
      scf.if %cond3A_173 {
        %dma_wait3A_181 = arith.constant 0 : i32
        %dma_wait3A_182 = tpu.memref_slice %arg7[%sub3A_168, %dma_wait3A_181] : memref<50x200xi32, #tpu.memory_space<vmem>> -> memref<1x200xi32, #tpu.memory_space<vmem>>
        %dma_wait3A_183 = tpu.memref_squeeze %dma_wait3A_182 : memref<1x200xi32, #tpu.memory_space<vmem>> -> memref<200xi32, #tpu.memory_space<vmem>>
        %dma_wait3A_184 = arith.constant 0 : i32
        %dma_wait3A_185 = arith.constant 0 : i32
        %dma_wait3A_186 = tpu.memref_slice %arg13[%dma_wait3A_184, %dma_wait3A_185] : memref<10240x64xf32, #tpu.memory_space<vmem_shared>> -> memref<10240x64xf32, #tpu.memory_space<vmem_shared>>
        tpu.wait_indirect_dma semaphore(%arg20 : memref<!tpu.dma_semaphore, #tpu.memory_space<semaphore_mem>>) src(%arg9 : memref<200x64xf32, #tpu.memory_space<vmem>>) dst(%dma_wait3A_186 : memref<10240x64xf32, #tpu.memory_space<vmem_shared>>)
      } else {
      }
      %add3A_174 = arith.constant 2 : i32
      %add3A_175 = arith.addi %add3A_154, %add3A_174 : i32
      %lt3A_176 = arith.constant 50 : i32
      %lt3A_177 = arith.cmpi slt, %add3A_175, %lt3A_176 : i32
      %convert_element_type3A_178 = arith.extui %lt3A_177 : i1 to i32
      %cond3A_179 = arith.constant 0 : i32
      %cond3A_180 = arith.cmpi ne, %convert_element_type3A_178, %cond3A_179 : i32
      scf.if %cond3A_180 {
        %add3A_181 = arith.constant 2 : i32
        %add3A_182 = arith.addi %add3A_154, %add3A_181 : i32
        %dma_start3A_183 = arith.constant 0 : i32
        %dma_start3A_184 = tpu.memref_slice %arg6[%add3A_182, %dma_start3A_183] : memref<50x200xi32, #tpu.memory_space<vmem>> -> memref<1x200xi32, #tpu.memory_space<vmem>>
        %dma_start3A_185 = tpu.memref_squeeze %dma_start3A_184 : memref<1x200xi32, #tpu.memory_space<vmem>> -> memref<200xi32, #tpu.memory_space<vmem>>
        %dma_start3A_186 = arith.constant 0 : i32
        %dma_start3A_187 = arith.constant 0 : i32
        %dma_start3A_188 = tpu.memref_slice %arg2[%dma_start3A_186, %dma_start3A_187] : memref<10000x64xf32, #tpu.memory_space<hbm>> -> memref<10000x64xf32, #tpu.memory_space<hbm>>
        tpu.enqueue_indirect_dma source(%dma_start3A_188 : memref<10000x64xf32, #tpu.memory_space<hbm>>) target(%arg9 : memref<200x64xf32, #tpu.memory_space<vmem>>) offsets(%dma_start3A_185 : memref<200xi32, #tpu.memory_space<vmem>>) semaphore(%arg15 : memref<!tpu.dma_semaphore, #tpu.memory_space<semaphore_mem>>)
      } else {
      }
    }
    %scan3A_21 = arith.constant 10 : i32
    %dma_wait3A = arith.constant 47 : i32
    %dma_wait3A_22 = arith.constant 0 : i32
    %dma_wait3A_23 = tpu.memref_slice %arg7[%dma_wait3A, %dma_wait3A_22] : memref<50x200xi32, #tpu.memory_space<vmem>> -> memref<1x200xi32, #tpu.memory_space<vmem>>
    %dma_wait3A_24 = tpu.memref_squeeze %dma_wait3A_23 : memref<1x200xi32, #tpu.memory_space<vmem>> -> memref<200xi32, #tpu.memory_space<vmem>>
    %dma_wait3A_25 = arith.constant 0 : i32
    %dma_wait3A_26 = arith.constant 0 : i32
    %dma_wait3A_27 = tpu.memref_slice %arg13[%dma_wait3A_25, %dma_wait3A_26] : memref<10240x64xf32, #tpu.memory_space<vmem_shared>> -> memref<10240x64xf32, #tpu.memory_space<vmem_shared>>
    tpu.wait_indirect_dma semaphore(%arg21 : memref<!tpu.dma_semaphore, #tpu.memory_space<semaphore_mem>>) src(%arg10 : memref<200x64xf32, #tpu.memory_space<vmem>>) dst(%dma_wait3A_27 : memref<10240x64xf32, #tpu.memory_space<vmem_shared>>)
    %dma_wait3A_28 = arith.constant 48 : i32
    %dma_wait3A_29 = arith.constant 0 : i32
    %dma_wait3A_30 = tpu.memref_slice %arg7[%dma_wait3A_28, %dma_wait3A_29] : memref<50x200xi32, #tpu.memory_space<vmem>> -> memref<1x200xi32, #tpu.memory_space<vmem>>
    %dma_wait3A_31 = tpu.memref_squeeze %dma_wait3A_30 : memref<1x200xi32, #tpu.memory_space<vmem>> -> memref<200xi32, #tpu.memory_space<vmem>>
    %dma_wait3A_32 = arith.constant 0 : i32
    %dma_wait3A_33 = arith.constant 0 : i32
    %dma_wait3A_34 = tpu.memref_slice %arg13[%dma_wait3A_32, %dma_wait3A_33] : memref<10240x64xf32, #tpu.memory_space<vmem_shared>> -> memref<10240x64xf32, #tpu.memory_space<vmem_shared>>
    tpu.wait_indirect_dma semaphore(%arg22 : memref<!tpu.dma_semaphore, #tpu.memory_space<semaphore_mem>>) src(%arg11 : memref<200x64xf32, #tpu.memory_space<vmem>>) dst(%dma_wait3A_34 : memref<10240x64xf32, #tpu.memory_space<vmem_shared>>)
    %dma_wait3A_35 = arith.constant 49 : i32
    %dma_wait3A_36 = arith.constant 0 : i32
    %dma_wait3A_37 = tpu.memref_slice %arg7[%dma_wait3A_35, %dma_wait3A_36] : memref<50x200xi32, #tpu.memory_space<vmem>> -> memref<1x200xi32, #tpu.memory_space<vmem>>
    %dma_wait3A_38 = tpu.memref_squeeze %dma_wait3A_37 : memref<1x200xi32, #tpu.memory_space<vmem>> -> memref<200xi32, #tpu.memory_space<vmem>>
    %dma_wait3A_39 = arith.constant 0 : i32
    %dma_wait3A_40 = arith.constant 0 : i32
    %dma_wait3A_41 = tpu.memref_slice %arg13[%dma_wait3A_39, %dma_wait3A_40] : memref<10240x64xf32, #tpu.memory_space<vmem_shared>> -> memref<10240x64xf32, #tpu.memory_space<vmem_shared>>
    tpu.wait_indirect_dma semaphore(%arg23 : memref<!tpu.dma_semaphore, #tpu.memory_space<semaphore_mem>>) src(%arg12 : memref<200x64xf32, #tpu.memory_space<vmem>>) dst(%dma_wait3A_41 : memref<10240x64xf32, #tpu.memory_space<vmem_shared>>)
    %barrier3A_42 = arith.constant 0 : index
    tpu.barrier barrier_id(%barrier3A_42)
    "tpu.region"() ({
      %run_scoped3A_43 = tpu.sem_alloc : memref<!tpu.dma_semaphore, #tpu.memory_space<semaphore_mem>>
      %dma_start3A_44 = arith.constant 0 : i32
      %dma_start3A_45 = tpu.memref_slice %arg5[%arg0, %mul3A_2, %dma_start3A_44] : memref<2x10240x64xf32, #tpu.memory_space<hbm>> -> memref<1x640x64xf32, #tpu.memory_space<hbm>>
      %dma_start3A_46 = tpu.memref_squeeze %dma_start3A_45 : memref<1x640x64xf32, #tpu.memory_space<hbm>> -> memref<640x64xf32, #tpu.memory_space<hbm>>
      %dma_start3A_47 = arith.constant 0 : i32
      %dma_start3A_48 = tpu.memref_slice %arg13[%mul3A_2, %dma_start3A_47] : memref<10240x64xf32, #tpu.memory_space<vmem_shared>> -> memref<640x64xf32, #tpu.memory_space<vmem_shared>>
      tpu.enqueue_dma source(%dma_start3A_48 : memref<640x64xf32, #tpu.memory_space<vmem_shared>>) target(%dma_start3A_46 : memref<640x64xf32, #tpu.memory_space<hbm>>) target_semaphore(%run_scoped3A_43 : memref<!tpu.dma_semaphore, #tpu.memory_space<semaphore_mem>>)
      %dma_wait3A_49 = arith.constant 0 : i32
      %dma_wait3A_50 = tpu.memref_slice %arg5[%arg0, %mul3A_2, %dma_wait3A_49] : memref<2x10240x64xf32, #tpu.memory_space<hbm>> -> memref<1x640x64xf32, #tpu.memory_space<hbm>>
      %dma_wait3A_51 = tpu.memref_squeeze %dma_wait3A_50 : memref<1x640x64xf32, #tpu.memory_space<hbm>> -> memref<640x64xf32, #tpu.memory_space<hbm>>
      %dma_wait3A_52 = arith.constant 0 : i32
      %dma_wait3A_53 = tpu.memref_slice %arg13[%mul3A_2, %dma_wait3A_52] : memref<10240x64xf32, #tpu.memory_space<vmem_shared>> -> memref<640x64xf32, #tpu.memory_space<vmem_shared>>
      tpu.wait_dma2 semaphore(%run_scoped3A_43 : memref<!tpu.dma_semaphore, #tpu.memory_space<semaphore_mem>>) src(%dma_wait3A_53 : memref<640x64xf32, #tpu.memory_space<vmem_shared>>) dst(%dma_wait3A_51 : memref<640x64xf32, #tpu.memory_space<hbm>>)
      tpu.yield
    }) : () -> ()
    return
  }
}

module attributes {stable_mosaic.version = 14 : i64} {
  func.func @_mm_body(%arg0: i32, %arg1: memref<1000x128xf32, #tpu.memory_space<vmem>>, %arg2: memref<1000x128xf32, #tpu.memory_space<vmem>>, %arg3: memref<128x64xf32, #tpu.memory_space<vmem>>, %arg4: memref<1000x128xf32, #tpu.memory_space<vmem>>) attributes {dimension_semantics = [#tpu.dimension_semantics<arbitrary>], iteration_bounds = array<i64: 5>, scalar_prefetch = 0 : i64, scratch_operands = 0 : i64, tpu.core_type = #tpu.core_type<tc>, window_params = [{transform_indices = @transform_0, window_bounds = array<i64: 1000, 128>}, {transform_indices = @transform_1, window_bounds = array<i64: 1000, 128>}, {pipeline_mode = #tpu.pipeline_mode<synchronous>, transform_indices = @transform_2, window_bounds = array<i64: 128, 64>}, {transform_indices = @transform_3, window_bounds = array<i64: 1000, 128>}]} {
    %get3A = arith.constant 0 : index
    %get3A_0 = arith.constant 0 : index
    %get3A_1 = vector.load %arg1[%get3A, %get3A_0] : memref<1000x128xf32, #tpu.memory_space<vmem>>, vector<1000x128xf32>
    %get3A_2 = arith.constant 0 : index
    %get3A_3 = arith.constant 0 : index
    %get3A_4 = vector.load %arg3[%get3A_2, %get3A_3] : memref<128x64xf32, #tpu.memory_space<vmem>>, vector<128x64xf32>
    %dot_general3A = arith.constant dense<0.000000e+00> : vector<1000x64xf32>
    %dot_general3A_5 = tpu.matmul %get3A_1, %get3A_4, %dot_general3A {dimension_numbers = #tpu.dot_dimension_numbers<[1], [0], [0], [1], [0, 0, 1, 1], [], []>, transpose_lhs_hint = false} : vector<1000x128xf32>, vector<128x64xf32>, vector<1000x64xf32> -> vector<1000x64xf32>
    %get3A_6 = arith.constant 0 : index
    %get3A_7 = arith.constant 0 : index
    %get3A_8 = vector.load %arg2[%get3A_6, %get3A_7] : memref<1000x128xf32, #tpu.memory_space<vmem>>, vector<1000x128xf32>
    %get3A_9 = arith.constant 0 : index
    %get3A_10 = arith.constant 0 : index
    %get3A_11 = vector.load %arg3[%get3A_9, %get3A_10] : memref<128x64xf32, #tpu.memory_space<vmem>>, vector<128x64xf32>
    %dot_general3A_12 = arith.constant dense<0.000000e+00> : vector<1000x64xf32>
    %dot_general3A_13 = tpu.matmul %get3A_8, %get3A_11, %dot_general3A_12 {dimension_numbers = #tpu.dot_dimension_numbers<[1], [0], [0], [1], [0, 0, 1, 1], [], []>, transpose_lhs_hint = false} : vector<1000x128xf32>, vector<128x64xf32>, vector<1000x64xf32> -> vector<1000x64xf32>
    %concatenate3A = tpu.concatenate %dot_general3A_5, %dot_general3A_13 in 1 : vector<1000x64xf32>, vector<1000x64xf32> -> vector<1000x128xf32>
    %swap3A = arith.constant 0 : index
    %swap3A_14 = arith.constant 0 : index
    %swap3A_15 = vector.load %arg4[%swap3A, %swap3A_14] : memref<1000x128xf32, #tpu.memory_space<vmem>>, vector<1000x128xf32>
    tpu.vector_store %arg4[%swap3A, %swap3A_14], %concatenate3A {strides = array<i32>} : memref<1000x128xf32, #tpu.memory_space<vmem>>, vector<1000x128xf32>,
    return
  }
  func.func @transform_0(%arg0: i32) -> (i32, i32) {
    %c0_i32 = arith.constant 0 : i32
    %c0_i32_0 = arith.constant 0 : i32
    return %arg0, %c0_i32 : i32, i32
  }
  func.func @transform_1(%arg0: i32) -> (i32, i32) {
    %add3A = arith.constant 5 : i32
    %add3A_0 = arith.addi %arg0, %add3A : i32
    %c0_i32 = arith.constant 0 : i32
    %c0_i32_1 = arith.constant 0 : i32
    return %add3A_0, %c0_i32 : i32, i32
  }
  func.func @transform_2(%arg0: i32) -> (i32, i32) {
    %c0_i32 = arith.constant 0 : i32
    %c0_i32_0 = arith.constant 0 : i32
    %c0_i32_1 = arith.constant 0 : i32
    return %c0_i32, %c0_i32_0 : i32, i32
  }
  func.func @transform_3(%arg0: i32) -> (i32, i32) {
    %c0_i32 = arith.constant 0 : i32
    %c0_i32_0 = arith.constant 0 : i32
    return %arg0, %c0_i32 : i32, i32
  }
}

module attributes {stable_mosaic.version = 14 : i64} {
  func.func @_stage2_body(%arg0: i32, %arg1: memref<1x1000x128xf32, #tpu.memory_space<vmem>>, %arg2: memref<1x1000x128xf32, #tpu.memory_space<vmem>>, %arg3: memref<1000x128xf32, #tpu.memory_space<vmem>>, %arg4: memref<1x128xf32, #tpu.memory_space<vmem>>, %arg5: memref<128x128xf32, #tpu.memory_space<vmem>>, %arg6: memref<1x128xf32, #tpu.memory_space<vmem>>, %arg7: memref<1x128xf32, #tpu.memory_space<vmem>>, %arg8: memref<1x128xf32, #tpu.memory_space<vmem>>, %arg9: memref<128x128xf32, #tpu.memory_space<vmem>>, %arg10: memref<1000x128xf32, #tpu.memory_space<vmem>>) attributes {dimension_semantics = [#tpu.dimension_semantics<arbitrary>], iteration_bounds = array<i64: 5>, scalar_prefetch = 0 : i64, scratch_operands = 0 : i64, tpu.core_type = #tpu.core_type<tc>, window_params = [{transform_indices = @transform_0, window_bounds = array<i64: 1, 1000, 128>}, {transform_indices = @transform_1, window_bounds = array<i64: 1, 1000, 128>}, {transform_indices = @transform_2, window_bounds = array<i64: 1000, 128>}, {pipeline_mode = #tpu.pipeline_mode<synchronous>, transform_indices = @transform_3, window_bounds = array<i64: 1, 128>}, {pipeline_mode = #tpu.pipeline_mode<synchronous>, transform_indices = @transform_4, window_bounds = array<i64: 128, 128>}, {pipeline_mode = #tpu.pipeline_mode<synchronous>, transform_indices = @transform_5, window_bounds = array<i64: 1, 128>}, {pipeline_mode = #tpu.pipeline_mode<synchronous>, transform_indices = @transform_6, window_bounds = array<i64: 1, 128>}, {pipeline_mode = #tpu.pipeline_mode<synchronous>, transform_indices = @transform_7, window_bounds = array<i64: 1, 128>}, {pipeline_mode = #tpu.pipeline_mode<synchronous>, transform_indices = @transform_8, window_bounds = array<i64: 128, 128>}, {transform_indices = @transform_9, window_bounds = array<i64: 1000, 128>}]} {
    %get3A = arith.constant 0 : index
    %get3A_0 = arith.constant 0 : index
    %get3A_1 = arith.constant 0 : index
    %get3A_2 = vector.load %arg1[%get3A, %get3A_0, %get3A_1] : memref<1x1000x128xf32, #tpu.memory_space<vmem>>, vector<1x1000x128xf32>
    %get3A_3 = vector.shape_cast %get3A_2 : vector<1x1000x128xf32> to vector<1000x128xf32>
    %get3A_4 = arith.constant 0 : index
    %get3A_5 = arith.constant 0 : index
    %get3A_6 = arith.constant 0 : index
    %get3A_7 = vector.load %arg2[%get3A_4, %get3A_5, %get3A_6] : memref<1x1000x128xf32, #tpu.memory_space<vmem>>, vector<1x1000x128xf32>
    %get3A_8 = vector.shape_cast %get3A_7 : vector<1x1000x128xf32> to vector<1000x128xf32>
    %add3A = arith.addf %get3A_3, %get3A_8 : vector<1000x128xf32>
    %get3A_9 = arith.constant 0 : index
    %get3A_10 = arith.constant 0 : index
    %get3A_11 = vector.load %arg3[%get3A_9, %get3A_10] : memref<1000x128xf32, #tpu.memory_space<vmem>>, vector<1000x128xf32>
    %add3A_12 = arith.addf %add3A, %get3A_11 : vector<1000x128xf32>
    %get3A_13 = arith.constant 0 : index
    %get3A_14 = arith.constant 0 : index
    %get3A_15 = vector.load %arg4[%get3A_13, %get3A_14] : memref<1x128xf32, #tpu.memory_space<vmem>>, vector<1x128xf32>
    %add3A_16 = vector.broadcast %get3A_15 : vector<1x128xf32> to vector<1000x128xf32>
    %add3A_17 = arith.addf %add3A_12, %add3A_16 : vector<1000x128xf32>
    %max3A = arith.constant 0.000000e+00 : f32
    %max3A_18 = vector.broadcast %max3A : f32 to vector<1000x128xf32>
    %max3A_19 = arith.maximumf %add3A_17, %max3A_18 : vector<1000x128xf32>
    %get3A_20 = arith.constant 0 : index
    %get3A_21 = arith.constant 0 : index
    %get3A_22 = vector.load %arg5[%get3A_20, %get3A_21] : memref<128x128xf32, #tpu.memory_space<vmem>>, vector<128x128xf32>
    %dot_general3A = arith.constant dense<0.000000e+00> : vector<1000x128xf32>
    %dot_general3A_23 = tpu.matmul %max3A_19, %get3A_22, %dot_general3A {dimension_numbers = #tpu.dot_dimension_numbers<[1], [0], [0], [1], [0, 0, 1, 1], [], []>, transpose_lhs_hint = false} : vector<1000x128xf32>, vector<128x128xf32>, vector<1000x128xf32> -> vector<1000x128xf32>
    %get3A_24 = arith.constant 0 : index
    %get3A_25 = arith.constant 0 : index
    %get3A_26 = vector.load %arg6[%get3A_24, %get3A_25] : memref<1x128xf32, #tpu.memory_space<vmem>>, vector<1x128xf32>
    %add3A_27 = vector.broadcast %get3A_26 : vector<1x128xf32> to vector<1000x128xf32>
    %add3A_28 = arith.addf %dot_general3A_23, %add3A_27 : vector<1000x128xf32>
    %max3A_29 = arith.constant 0.000000e+00 : f32
    %max3A_30 = vector.broadcast %max3A_29 : f32 to vector<1000x128xf32>
    %max3A_31 = arith.maximumf %add3A_28, %max3A_30 : vector<1000x128xf32>
    %get3A_32 = arith.constant 0 : index
    %get3A_33 = arith.constant 0 : index
    %get3A_34 = vector.load %arg7[%get3A_32, %get3A_33] : memref<1x128xf32, #tpu.memory_space<vmem>>, vector<1x128xf32>
    %mul3A = vector.broadcast %get3A_34 : vector<1x128xf32> to vector<1000x128xf32>
    %mul3A_35 = arith.mulf %max3A_31, %mul3A : vector<1000x128xf32>
    %get3A_36 = arith.constant 0 : index
    %get3A_37 = arith.constant 0 : index
    %get3A_38 = vector.load %arg8[%get3A_36, %get3A_37] : memref<1x128xf32, #tpu.memory_space<vmem>>, vector<1x128xf32>
    %add3A_39 = vector.broadcast %get3A_38 : vector<1x128xf32> to vector<1000x128xf32>
    %add3A_40 = arith.addf %mul3A_35, %add3A_39 : vector<1000x128xf32>
    %get3A_41 = arith.constant 0 : index
    %get3A_42 = arith.constant 0 : index
    %get3A_43 = vector.load %arg9[%get3A_41, %get3A_42] : memref<128x128xf32, #tpu.memory_space<vmem>>, vector<128x128xf32>
    %dot_general3A_44 = arith.constant dense<0.000000e+00> : vector<1000x128xf32>
    %dot_general3A_45 = tpu.matmul %add3A_40, %get3A_43, %dot_general3A_44 {dimension_numbers = #tpu.dot_dimension_numbers<[1], [0], [0], [1], [0, 0, 1, 1], [], []>, transpose_lhs_hint = false} : vector<1000x128xf32>, vector<128x128xf32>, vector<1000x128xf32> -> vector<1000x128xf32>
    %swap3A = arith.constant 0 : index
    %swap3A_46 = arith.constant 0 : index
    %swap3A_47 = vector.load %arg10[%swap3A, %swap3A_46] : memref<1000x128xf32, #tpu.memory_space<vmem>>, vector<1000x128xf32>
    tpu.vector_store %arg10[%swap3A, %swap3A_46], %dot_general3A_45 {strides = array<i32>} : memref<1000x128xf32, #tpu.memory_space<vmem>>, vector<1000x128xf32>,
    return
  }
  func.func @transform_0(%arg0: i32) -> (i32, i32, i32) {
    %c0_i32 = arith.constant 0 : i32
    %c0_i32_0 = arith.constant 0 : i32
    %c0_i32_1 = arith.constant 0 : i32
    return %c0_i32, %arg0, %c0_i32_0 : i32, i32, i32
  }
  func.func @transform_1(%arg0: i32) -> (i32, i32, i32) {
    %c1_i32 = arith.constant 1 : i32
    %c0_i32 = arith.constant 0 : i32
    %c0_i32_0 = arith.constant 0 : i32
    return %c1_i32, %arg0, %c0_i32 : i32, i32, i32
  }
  func.func @transform_2(%arg0: i32) -> (i32, i32) {
    %c0_i32 = arith.constant 0 : i32
    %c0_i32_0 = arith.constant 0 : i32
    return %arg0, %c0_i32 : i32, i32
  }
  func.func @transform_3(%arg0: i32) -> (i32, i32) {
    %c0_i32 = arith.constant 0 : i32
    %c0_i32_0 = arith.constant 0 : i32
    %c0_i32_1 = arith.constant 0 : i32
    return %c0_i32, %c0_i32_0 : i32, i32
  }
  func.func @transform_4(%arg0: i32) -> (i32, i32) {
    %c0_i32 = arith.constant 0 : i32
    %c0_i32_0 = arith.constant 0 : i32
    %c0_i32_1 = arith.constant 0 : i32
    return %c0_i32, %c0_i32_0 : i32, i32
  }
  func.func @transform_5(%arg0: i32) -> (i32, i32) {
    %c0_i32 = arith.constant 0 : i32
    %c0_i32_0 = arith.constant 0 : i32
    %c0_i32_1 = arith.constant 0 : i32
    return %c0_i32, %c0_i32_0 : i32, i32
  }
  func.func @transform_6(%arg0: i32) -> (i32, i32) {
    %c0_i32 = arith.constant 0 : i32
    %c0_i32_0 = arith.constant 0 : i32
    %c0_i32_1 = arith.constant 0 : i32
    return %c0_i32, %c0_i32_0 : i32, i32
  }
  func.func @transform_7(%arg0: i32) -> (i32, i32) {
    %c0_i32 = arith.constant 0 : i32
    %c0_i32_0 = arith.constant 0 : i32
    %c0_i32_1 = arith.constant 0 : i32
    return %c0_i32, %c0_i32_0 : i32, i32
  }
  func.func @transform_8(%arg0: i32) -> (i32, i32) {
    %c0_i32 = arith.constant 0 : i32
    %c0_i32_0 = arith.constant 0 : i32
    %c0_i32_1 = arith.constant 0 : i32
    return %c0_i32, %c0_i32_0 : i32, i32
  }
  func.func @transform_9(%arg0: i32) -> (i32, i32) {
    %c0_i32 = arith.constant 0 : i32
    %c0_i32_0 = arith.constant 0 : i32
    return %arg0, %c0_i32 : i32, i32
  }
}

module attributes {stable_mosaic.version = 14 : i64} {
  func.func @_stage3_body(%arg0: i32, %arg1: memref<1x1000x128xf32, #tpu.memory_space<vmem>>, %arg2: memref<1x1000x128xf32, #tpu.memory_space<vmem>>, %arg3: memref<1000x128xf32, #tpu.memory_space<vmem>>, %arg4: memref<1x128xf32, #tpu.memory_space<vmem>>, %arg5: memref<128x128xf32, #tpu.memory_space<vmem>>, %arg6: memref<1x128xf32, #tpu.memory_space<vmem>>, %arg7: memref<1x128xf32, #tpu.memory_space<vmem>>, %arg8: memref<1x128xf32, #tpu.memory_space<vmem>>, %arg9: memref<1x1x1000xi32, #tpu.memory_space<vmem>>, %arg10: memref<1x1x1000xi32, #tpu.memory_space<vmem>>, %arg11: memref<64x64xf32, #tpu.memory_space<vmem>>, %arg12: memref<1x64xf32, #tpu.memory_space<vmem>>, %arg13: memref<64x10xf32, #tpu.memory_space<vmem>>, %arg14: memref<1x10xf32, #tpu.memory_space<vmem>>, %arg15: memref<64x10xf32, #tpu.memory_space<vmem>>, %arg16: memref<64x64xf32, #tpu.memory_space<vmem>>, %arg17: memref<64x64xf32, #tpu.memory_space<vmem>>) attributes {dimension_semantics = [#tpu.dimension_semantics<arbitrary>], iteration_bounds = array<i64: 5>, scalar_prefetch = 0 : i64, scratch_operands = 2 : i64, tpu.core_type = #tpu.core_type<tc>, window_params = [{transform_indices = @transform_0, window_bounds = array<i64: 1, 1000, 128>}, {transform_indices = @transform_1, window_bounds = array<i64: 1, 1000, 128>}, {transform_indices = @transform_2, window_bounds = array<i64: 1000, 128>}, {pipeline_mode = #tpu.pipeline_mode<synchronous>, transform_indices = @transform_3, window_bounds = array<i64: 1, 128>}, {pipeline_mode = #tpu.pipeline_mode<synchronous>, transform_indices = @transform_4, window_bounds = array<i64: 128, 128>}, {pipeline_mode = #tpu.pipeline_mode<synchronous>, transform_indices = @transform_5, window_bounds = array<i64: 1, 128>}, {pipeline_mode = #tpu.pipeline_mode<synchronous>, transform_indices = @transform_6, window_bounds = array<i64: 1, 128>}, {pipeline_mode = #tpu.pipeline_mode<synchronous>, transform_indices = @transform_7, window_bounds = array<i64: 1, 128>}, {transform_indices = @transform_8, window_bounds = array<i64: 1, 1, 1000>}, {transform_indices = @transform_9, window_bounds = array<i64: 1, 1, 1000>}, {pipeline_mode = #tpu.pipeline_mode<synchronous>, transform_indices = @transform_10, window_bounds = array<i64: 64, 64>}, {pipeline_mode = #tpu.pipeline_mode<synchronous>, transform_indices = @transform_11, window_bounds = array<i64: 1, 64>}, {pipeline_mode = #tpu.pipeline_mode<synchronous>, transform_indices = @transform_12, window_bounds = array<i64: 64, 10>}, {pipeline_mode = #tpu.pipeline_mode<synchronous>, transform_indices = @transform_13, window_bounds = array<i64: 1, 10>}, {pipeline_mode = #tpu.pipeline_mode<synchronous>, transform_indices = @transform_14, window_bounds = array<i64: 64, 10>}]} {
    %eq3A = arith.constant 0 : i32
    %eq3A_0 = arith.cmpi eq, %arg0, %eq3A : i32
    %convert_element_type3A = arith.extui %eq3A_0 : i1 to i32
    %cond3A = arith.constant 0 : i32
    %cond3A_1 = arith.cmpi ne, %convert_element_type3A, %cond3A : i32
    scf.if %cond3A_1 {
      %broadcast_in_dim3A_93 = arith.constant 0.000000e+00 : f32
      %broadcast_in_dim3A_94 = vector.broadcast %broadcast_in_dim3A_93 : f32 to vector<64x64xf32>
      %swap3A_95 = arith.constant 0 : index
      %swap3A_96 = arith.constant 0 : index
      %swap3A_97 = vector.load %arg16[%swap3A_95, %swap3A_96] : memref<64x64xf32, #tpu.memory_space<vmem>>, vector<64x64xf32>
      tpu.vector_store %arg16[%swap3A_95, %swap3A_96], %broadcast_in_dim3A_94 {strides = array<i32>} : memref<64x64xf32, #tpu.memory_space<vmem>>, vector<64x64xf32>,
      %broadcast_in_dim3A_98 = arith.constant 0.000000e+00 : f32
      %broadcast_in_dim3A_99 = vector.broadcast %broadcast_in_dim3A_98 : f32 to vector<64x64xf32>
      %swap3A_100 = arith.constant 0 : index
      %swap3A_101 = arith.constant 0 : index
      %swap3A_102 = vector.load %arg17[%swap3A_100, %swap3A_101] : memref<64x64xf32, #tpu.memory_space<vmem>>, vector<64x64xf32>
      tpu.vector_store %arg17[%swap3A_100, %swap3A_101], %broadcast_in_dim3A_99 {strides = array<i32>} : memref<64x64xf32, #tpu.memory_space<vmem>>, vector<64x64xf32>,
    } else {
    }
    %get3A = arith.constant 0 : index
    %get3A_2 = arith.constant 0 : index
    %get3A_3 = arith.constant 0 : index
    %get3A_4 = vector.load %arg1[%get3A, %get3A_2, %get3A_3] : memref<1x1000x128xf32, #tpu.memory_space<vmem>>, vector<1x1000x128xf32>
    %get3A_5 = vector.shape_cast %get3A_4 : vector<1x1000x128xf32> to vector<1000x128xf32>
    %get3A_6 = arith.constant 0 : index
    %get3A_7 = arith.constant 0 : index
    %get3A_8 = arith.constant 0 : index
    %get3A_9 = vector.load %arg2[%get3A_6, %get3A_7, %get3A_8] : memref<1x1000x128xf32, #tpu.memory_space<vmem>>, vector<1x1000x128xf32>
    %get3A_10 = vector.shape_cast %get3A_9 : vector<1x1000x128xf32> to vector<1000x128xf32>
    %add3A = arith.addf %get3A_5, %get3A_10 : vector<1000x128xf32>
    %get3A_11 = arith.constant 0 : index
    %get3A_12 = arith.constant 0 : index
    %get3A_13 = vector.load %arg3[%get3A_11, %get3A_12] : memref<1000x128xf32, #tpu.memory_space<vmem>>, vector<1000x128xf32>
    %add3A_14 = arith.addf %add3A, %get3A_13 : vector<1000x128xf32>
    %get3A_15 = arith.constant 0 : index
    %get3A_16 = arith.constant 0 : index
    %get3A_17 = vector.load %arg4[%get3A_15, %get3A_16] : memref<1x128xf32, #tpu.memory_space<vmem>>, vector<1x128xf32>
    %add3A_18 = vector.broadcast %get3A_17 : vector<1x128xf32> to vector<1000x128xf32>
    %add3A_19 = arith.addf %add3A_14, %add3A_18 : vector<1000x128xf32>
    %max3A = arith.constant 0.000000e+00 : f32
    %max3A_20 = vector.broadcast %max3A : f32 to vector<1000x128xf32>
    %max3A_21 = arith.maximumf %add3A_19, %max3A_20 : vector<1000x128xf32>
    %get3A_22 = arith.constant 0 : index
    %get3A_23 = arith.constant 0 : index
    %get3A_24 = vector.load %arg5[%get3A_22, %get3A_23] : memref<128x128xf32, #tpu.memory_space<vmem>>, vector<128x128xf32>
    %dot_general3A = arith.constant dense<0.000000e+00> : vector<1000x128xf32>
    %dot_general3A_25 = tpu.matmul %max3A_21, %get3A_24, %dot_general3A {dimension_numbers = #tpu.dot_dimension_numbers<[1], [0], [0], [1], [0, 0, 1, 1], [], []>, transpose_lhs_hint = false} : vector<1000x128xf32>, vector<128x128xf32>, vector<1000x128xf32> -> vector<1000x128xf32>
    %get3A_26 = arith.constant 0 : index
    %get3A_27 = arith.constant 0 : index
    %get3A_28 = vector.load %arg6[%get3A_26, %get3A_27] : memref<1x128xf32, #tpu.memory_space<vmem>>, vector<1x128xf32>
    %add3A_29 = vector.broadcast %get3A_28 : vector<1x128xf32> to vector<1000x128xf32>
    %add3A_30 = arith.addf %dot_general3A_25, %add3A_29 : vector<1000x128xf32>
    %max3A_31 = arith.constant 0.000000e+00 : f32
    %max3A_32 = vector.broadcast %max3A_31 : f32 to vector<1000x128xf32>
    %max3A_33 = arith.maximumf %add3A_30, %max3A_32 : vector<1000x128xf32>
    %get3A_34 = arith.constant 0 : index
    %get3A_35 = arith.constant 0 : index
    %get3A_36 = vector.load %arg7[%get3A_34, %get3A_35] : memref<1x128xf32, #tpu.memory_space<vmem>>, vector<1x128xf32>
    %mul3A = vector.broadcast %get3A_36 : vector<1x128xf32> to vector<1000x128xf32>
    %mul3A_37 = arith.mulf %max3A_33, %mul3A : vector<1000x128xf32>
    %get3A_38 = arith.constant 0 : index
    %get3A_39 = arith.constant 0 : index
    %get3A_40 = vector.load %arg8[%get3A_38, %get3A_39] : memref<1x128xf32, #tpu.memory_space<vmem>>, vector<1x128xf32>
    %add3A_41 = vector.broadcast %get3A_40 : vector<1x128xf32> to vector<1000x128xf32>
    %add3A_42 = arith.addf %mul3A_37, %add3A_41 : vector<1000x128xf32>
    %slice3A = vector.extract_strided_slice %add3A_42 {offsets = [0, 0], sizes = [1000, 64], strides = [1, 1]} : vector<1000x128xf32> to vector<1000x64xf32>
    %slice3A_43 = vector.extract_strided_slice %add3A_42 {offsets = [0, 64], sizes = [1000, 64], strides = [1, 1]} : vector<1000x128xf32> to vector<1000x64xf32>
    %iota3A = tpu.iota {dimensions = array<i32: 1>} : vector<1000x64xi32>
    %get3A_44 = arith.constant 0 : index
    %get3A_45 = arith.constant 0 : index
    %get3A_46 = arith.constant 0 : index
    %get3A_47 = vector.load %arg9[%get3A_44, %get3A_45, %get3A_46] : memref<1x1x1000xi32, #tpu.memory_space<vmem>>, vector<1x1x1000xi32>
    %get3A_48 = vector.shape_cast %get3A_47 : vector<1x1x1000xi32> to vector<1000xi32>
    %broadcast_in_dim3A = vector.shape_cast %get3A_48 : vector<1000xi32> to vector<1000x1xi32>
    %eq3A_49 = vector.broadcast %broadcast_in_dim3A : vector<1000x1xi32> to vector<1000x64xi32>
    %eq3A_50 = arith.cmpi eq, %eq3A_49, %iota3A : vector<1000x64xi32>
    %convert_element_type3A_51 = arith.extui %eq3A_50 : vector<1000x64xi1> to vector<1000x64xi32>
    %convert_element_type3A_52 = arith.sitofp %convert_element_type3A_51 : vector<1000x64xi32> to vector<1000x64xf32>
    %get3A_53 = arith.constant 0 : index
    %get3A_54 = arith.constant 0 : index
    %get3A_55 = arith.constant 0 : index
    %get3A_56 = vector.load %arg10[%get3A_53, %get3A_54, %get3A_55] : memref<1x1x1000xi32, #tpu.memory_space<vmem>>, vector<1x1x1000xi32>
    %get3A_57 = vector.shape_cast %get3A_56 : vector<1x1x1000xi32> to vector<1000xi32>
    %broadcast_in_dim3A_58 = vector.shape_cast %get3A_57 : vector<1000xi32> to vector<1000x1xi32>
    %eq3A_59 = vector.broadcast %broadcast_in_dim3A_58 : vector<1000x1xi32> to vector<1000x64xi32>
    %eq3A_60 = arith.cmpi eq, %eq3A_59, %iota3A : vector<1000x64xi32>
    %convert_element_type3A_61 = arith.extui %eq3A_60 : vector<1000x64xi1> to vector<1000x64xi32>
    %convert_element_type3A_62 = arith.sitofp %convert_element_type3A_61 : vector<1000x64xi32> to vector<1000x64xf32>
    %get3A_63 = arith.constant 0 : index
    %get3A_64 = arith.constant 0 : index
    %get3A_65 = vector.load %arg16[%get3A_63, %get3A_64] : memref<64x64xf32, #tpu.memory_space<vmem>>, vector<64x64xf32>
    %dot_general3A_66 = arith.constant dense<0.000000e+00> : vector<64x64xf32>
    %dot_general3A_67 = tpu.matmul %convert_element_type3A_52, %slice3A, %dot_general3A_66 {dimension_numbers = #tpu.dot_dimension_numbers<[0], [0], [1], [1], [0, 1, 1, 1], [], []>, transpose_lhs_hint = false} : vector<1000x64xf32>, vector<1000x64xf32>, vector<64x64xf32> -> vector<64x64xf32>
    %dot_general3A_68 = arith.constant dense<0.000000e+00> : vector<64x64xf32>
    %dot_general3A_69 = tpu.matmul %convert_element_type3A_62, %slice3A_43, %dot_general3A_68 {dimension_numbers = #tpu.dot_dimension_numbers<[0], [0], [1], [1], [0, 1, 1, 1], [], []>, transpose_lhs_hint = false} : vector<1000x64xf32>, vector<1000x64xf32>, vector<64x64xf32> -> vector<64x64xf32>
    %add3A_70 = arith.addf %dot_general3A_67, %dot_general3A_69 : vector<64x64xf32>
    %add3A_71 = arith.addf %get3A_65, %add3A_70 : vector<64x64xf32>
    %swap3A = arith.constant 0 : index
    %swap3A_72 = arith.constant 0 : index
    %swap3A_73 = vector.load %arg16[%swap3A, %swap3A_72] : memref<64x64xf32, #tpu.memory_space<vmem>>, vector<64x64xf32>
    tpu.vector_store %arg16[%swap3A, %swap3A_72], %add3A_71 {strides = array<i32>} : memref<64x64xf32, #tpu.memory_space<vmem>>, vector<64x64xf32>,
    %broadcast_in_dim3A_74 = arith.constant 1.000000e+00 : f32
    %broadcast_in_dim3A_75 = vector.broadcast %broadcast_in_dim3A_74 : f32 to vector<1000x64xf32>
    %get3A_76 = arith.constant 0 : index
    %get3A_77 = arith.constant 0 : index
    %get3A_78 = vector.load %arg17[%get3A_76, %get3A_77] : memref<64x64xf32, #tpu.memory_space<vmem>>, vector<64x64xf32>
    %dot_general3A_79 = arith.constant dense<0.000000e+00> : vector<64x64xf32>
    %dot_general3A_80 = tpu.matmul %convert_element_type3A_52, %broadcast_in_dim3A_75, %dot_general3A_79 {dimension_numbers = #tpu.dot_dimension_numbers<[0], [0], [1], [1], [0, 1, 1, 1], [], []>, transpose_lhs_hint = false} : vector<1000x64xf32>, vector<1000x64xf32>, vector<64x64xf32> -> vector<64x64xf32>
    %dot_general3A_81 = arith.constant dense<0.000000e+00> : vector<64x64xf32>
    %dot_general3A_82 = tpu.matmul %convert_element_type3A_62, %broadcast_in_dim3A_75, %dot_general3A_81 {dimension_numbers = #tpu.dot_dimension_numbers<[0], [0], [1], [1], [0, 1, 1, 1], [], []>, transpose_lhs_hint = false} : vector<1000x64xf32>, vector<1000x64xf32>, vector<64x64xf32> -> vector<64x64xf32>
    %add3A_83 = arith.addf %dot_general3A_80, %dot_general3A_82 : vector<64x64xf32>
    %add3A_84 = arith.addf %get3A_78, %add3A_83 : vector<64x64xf32>
    %swap3A_85 = arith.constant 0 : index
    %swap3A_86 = arith.constant 0 : index
    %swap3A_87 = vector.load %arg17[%swap3A_85, %swap3A_86] : memref<64x64xf32, #tpu.memory_space<vmem>>, vector<64x64xf32>
    tpu.vector_store %arg17[%swap3A_85, %swap3A_86], %add3A_84 {strides = array<i32>} : memref<64x64xf32, #tpu.memory_space<vmem>>, vector<64x64xf32>,
    %eq3A_88 = arith.constant 4 : i32
    %eq3A_89 = arith.cmpi eq, %arg0, %eq3A_88 : i32
    %convert_element_type3A_90 = arith.extui %eq3A_89 : i1 to i32
    %cond3A_91 = arith.constant 0 : i32
    %cond3A_92 = arith.cmpi ne, %convert_element_type3A_90, %cond3A_91 : i32
    scf.if %cond3A_92 {
      %get3A_93 = arith.constant 0 : index
      %get3A_94 = arith.constant 0 : index
      %get3A_95 = vector.load %arg16[%get3A_93, %get3A_94] : memref<64x64xf32, #tpu.memory_space<vmem>>, vector<64x64xf32>
      %get3A_96 = arith.constant 0 : index
      %get3A_97 = arith.constant 0 : index
      %get3A_98 = vector.load %arg17[%get3A_96, %get3A_97] : memref<64x64xf32, #tpu.memory_space<vmem>>, vector<64x64xf32>
      %max3A_99 = arith.constant 1.000000e+00 : f32
      %max3A_100 = vector.broadcast %max3A_99 : f32 to vector<64x64xf32>
      %max3A_101 = arith.maximumf %get3A_98, %max3A_100 : vector<64x64xf32>
      %div3A = arith.divf %get3A_95, %max3A_101 : vector<64x64xf32>
      %get3A_102 = arith.constant 0 : index
      %get3A_103 = arith.constant 0 : index
      %get3A_104 = vector.load %arg11[%get3A_102, %get3A_103] : memref<64x64xf32, #tpu.memory_space<vmem>>, vector<64x64xf32>
      %dot_general3A_105 = arith.constant dense<0.000000e+00> : vector<64x64xf32>
      %dot_general3A_106 = tpu.matmul %div3A, %get3A_104, %dot_general3A_105 {dimension_numbers = #tpu.dot_dimension_numbers<[1], [0], [0], [1], [0, 0, 1, 1], [], []>, transpose_lhs_hint = false} : vector<64x64xf32>, vector<64x64xf32>, vector<64x64xf32> -> vector<64x64xf32>
      %get3A_107 = arith.constant 0 : index
      %get3A_108 = arith.constant 0 : index
      %get3A_109 = vector.load %arg12[%get3A_107, %get3A_108] : memref<1x64xf32, #tpu.memory_space<vmem>>, vector<1x64xf32>
      %add3A_110 = vector.broadcast %get3A_109 : vector<1x64xf32> to vector<64x64xf32>
      %add3A_111 = arith.addf %dot_general3A_106, %add3A_110 : vector<64x64xf32>
      %max3A_112 = arith.constant 0.000000e+00 : f32
      %max3A_113 = vector.broadcast %max3A_112 : f32 to vector<64x64xf32>
      %max3A_114 = arith.maximumf %add3A_111, %max3A_113 : vector<64x64xf32>
      %get3A_115 = arith.constant 0 : index
      %get3A_116 = arith.constant 0 : index
      %get3A_117 = vector.load %arg13[%get3A_115, %get3A_116] : memref<64x10xf32, #tpu.memory_space<vmem>>, vector<64x10xf32>
      %dot_general3A_118 = arith.constant dense<0.000000e+00> : vector<64x10xf32>
      %dot_general3A_119 = tpu.matmul %max3A_114, %get3A_117, %dot_general3A_118 {dimension_numbers = #tpu.dot_dimension_numbers<[1], [0], [0], [1], [0, 0, 1, 1], [], []>, transpose_lhs_hint = false} : vector<64x64xf32>, vector<64x10xf32>, vector<64x10xf32> -> vector<64x10xf32>
      %get3A_120 = arith.constant 0 : index
      %get3A_121 = arith.constant 0 : index
      %get3A_122 = vector.load %arg14[%get3A_120, %get3A_121] : memref<1x10xf32, #tpu.memory_space<vmem>>, vector<1x10xf32>
      %add3A_123 = vector.broadcast %get3A_122 : vector<1x10xf32> to vector<64x10xf32>
      %add3A_124 = arith.addf %dot_general3A_119, %add3A_123 : vector<64x10xf32>
      %swap3A_125 = arith.constant 0 : index
      %swap3A_126 = arith.constant 0 : index
      %swap3A_127 = vector.load %arg15[%swap3A_125, %swap3A_126] : memref<64x10xf32, #tpu.memory_space<vmem>>, vector<64x10xf32>
      tpu.vector_store %arg15[%swap3A_125, %swap3A_126], %add3A_124 {strides = array<i32>} : memref<64x10xf32, #tpu.memory_space<vmem>>, vector<64x10xf32>,
    } else {
    }
    return
  }
  func.func @transform_0(%arg0: i32) -> (i32, i32, i32) {
    %c0_i32 = arith.constant 0 : i32
    %c0_i32_0 = arith.constant 0 : i32
    %c0_i32_1 = arith.constant 0 : i32
    return %c0_i32, %arg0, %c0_i32_0 : i32, i32, i32
  }
  func.func @transform_1(%arg0: i32) -> (i32, i32, i32) {
    %c1_i32 = arith.constant 1 : i32
    %c0_i32 = arith.constant 0 : i32
    %c0_i32_0 = arith.constant 0 : i32
    return %c1_i32, %arg0, %c0_i32 : i32, i32, i32
  }
  func.func @transform_2(%arg0: i32) -> (i32, i32) {
    %c0_i32 = arith.constant 0 : i32
    %c0_i32_0 = arith.constant 0 : i32
    return %arg0, %c0_i32 : i32, i32
  }
  func.func @transform_3(%arg0: i32) -> (i32, i32) {
    %c0_i32 = arith.constant 0 : i32
    %c0_i32_0 = arith.constant 0 : i32
    %c0_i32_1 = arith.constant 0 : i32
    return %c0_i32, %c0_i32_0 : i32, i32
  }
  func.func @transform_4(%arg0: i32) -> (i32, i32) {
    %c0_i32 = arith.constant 0 : i32
    %c0_i32_0 = arith.constant 0 : i32
    %c0_i32_1 = arith.constant 0 : i32
    return %c0_i32, %c0_i32_0 : i32, i32
  }
  func.func @transform_5(%arg0: i32) -> (i32, i32) {
    %c0_i32 = arith.constant 0 : i32
    %c0_i32_0 = arith.constant 0 : i32
    %c0_i32_1 = arith.constant 0 : i32
    return %c0_i32, %c0_i32_0 : i32, i32
  }
  func.func @transform_6(%arg0: i32) -> (i32, i32) {
    %c0_i32 = arith.constant 0 : i32
    %c0_i32_0 = arith.constant 0 : i32
    %c0_i32_1 = arith.constant 0 : i32
    return %c0_i32, %c0_i32_0 : i32, i32
  }
  func.func @transform_7(%arg0: i32) -> (i32, i32) {
    %c0_i32 = arith.constant 0 : i32
    %c0_i32_0 = arith.constant 0 : i32
    %c0_i32_1 = arith.constant 0 : i32
    return %c0_i32, %c0_i32_0 : i32, i32
  }
  func.func @transform_8(%arg0: i32) -> (i32, i32, i32) {
    %c0_i32 = arith.constant 0 : i32
    %c0_i32_0 = arith.constant 0 : i32
    %c0_i32_1 = arith.constant 0 : i32
    return %arg0, %c0_i32, %c0_i32_0 : i32, i32, i32
  }
  func.func @transform_9(%arg0: i32) -> (i32, i32, i32) {
    %add3A = arith.constant 5 : i32
    %add3A_0 = arith.addi %arg0, %add3A : i32
    %c0_i32 = arith.constant 0 : i32
    %c0_i32_1 = arith.constant 0 : i32
    %c0_i32_2 = arith.constant 0 : i32
    return %add3A_0, %c0_i32, %c0_i32_1 : i32, i32, i32
  }
  func.func @transform_10(%arg0: i32) -> (i32, i32) {
    %c0_i32 = arith.constant 0 : i32
    %c0_i32_0 = arith.constant 0 : i32
    %c0_i32_1 = arith.constant 0 : i32
    return %c0_i32, %c0_i32_0 : i32, i32
  }
  func.func @transform_11(%arg0: i32) -> (i32, i32) {
    %c0_i32 = arith.constant 0 : i32
    %c0_i32_0 = arith.constant 0 : i32
    %c0_i32_1 = arith.constant 0 : i32
    return %c0_i32, %c0_i32_0 : i32, i32
  }
  func.func @transform_12(%arg0: i32) -> (i32, i32) {
    %c0_i32 = arith.constant 0 : i32
    %c0_i32_0 = arith.constant 0 : i32
    %c0_i32_1 = arith.constant 0 : i32
    return %c0_i32, %c0_i32_0 : i32, i32
  }
  func.func @transform_13(%arg0: i32) -> (i32, i32) {
    %c0_i32 = arith.constant 0 : i32
    %c0_i32_0 = arith.constant 0 : i32
    %c0_i32_1 = arith.constant 0 : i32
    return %c0_i32, %c0_i32_0 : i32, i32
  }
  func.func @transform_14(%arg0: i32) -> (i32, i32) {
    %c0_i32 = arith.constant 0 : i32
    %c0_i32_0 = arith.constant 0 : i32
    %c0_i32_1 = arith.constant 0 : i32
    return %c0_i32, %c0_i32_0 : i32, i32
  }
}

</mosaic_0001>

<sc_bundles>
// kernel: kernel.10.cloned.1.call-start
scs
__scs_entry_jumppad:
0x0: {  	(pc) =	sbr.rel $0x88, $3  }
0x1: {  	(tag) =	ssettag $0x0;
	lr =	simm.s32 $0x1  }
0x2: {  	[smem:$0x3F8A] =	sst lr;
	_ =	strace $0xD0000000  }
0x3: {  	_ = 	snop  }
0x4: {  	_ = 	snop  }
0x5: {  	_ = 	snop  }
0x6: {  	_ = 	snop  }
0x7: {  	_ = 	snop  }
__scs_overlays_trampoline_lowered:
0x8: {  	[smem:$0x3F99] =	sst s0  }
0x9: {  	[smem:$0x3F9A] =	sst s1  }
0xa: {  	[smem:$0x3F9B] =	sst s2  }
0xb: {  	[smem:$0x3F9C] =	sst s3  }
0xc: {  	[smem:$0x3F9D] =	sst s4  }
0xd: {  	[smem:$0x3F9E] =	sst s5  }
0xe: {  	[smem:$0x3F9F] =	sst s6  }
0xf: {  	[smem:$0x3FA0] =	sst s7  }
0x10: {  	[smem:$0x3FA1] =	sst s8  }
0x11: {  	[smem:$0x3FA2] =	sst s9;
	s0 =	simm.s32 @!p0 $0x0  }
0x12: {  	s1 =	sld [smem:$0x3F88];
	s0 =	simm.s32 @p0 $0x1  }
0x13: {  	[smem:$0x3FA3] =	sst s0;
	s0 =	simm.s32 @!p1 $0x0  }
0x14: {  	s2 =	sld [smem:$0x3F87];
	s0 =	simm.s32 @p1 $0x1  }
0x15: {  	[smem:$0x3FA4] =	sst s0;
	s0 =	simm.s32 @!p2 $0x0  }
0x16: {  	s3 =	sld [smem:$0x3FDB];
	s0 =	simm.s32 @p2 $0x1  }
0x17: {  	s4 =	simm.s32 $0x1BF5;
	[smem:$0x3FA6] =	sst s0  }
0x18: {  	s0 =	sld [smem:$0x3F89];
	_ =	swait.ge [sflag:s4], $0x0  }
0x19: {  	s7 =	sld [smem:$0x3F8A]  }
0x1a: {  	s8 =	sadd.s32 $0xFFFFE003, lr  }
0x1b: {  	s9 =	sadd.s32 $0xFFFFFEF7, lr;
	s5 =	simm.s32 $0xFFFFFFFF;
	p2 =	slt.u32 s8, $0xFFFFF086  }
0x1c: {  	p1 =	slt.u32 s9, $0xF7A;
	s5 =	simm.s32 @!p2 $0x0  }
0x1d: {  	s5 =	simm.s32 @p1 $0x1;
	p0 =	seq.s32 s7, s2  }
0x1e: {  	s7 =	smul.u32 @!p0 $0xF7A, s2;
	p2 =	seq.s32 @!p0 s5, $0x0  }
0x1f: {  	s9 =	smul.u32 $0xF7A, s1;
	s8 =	simm.s32 @!p0 $0x1BF5;
	p2 =	por !p2, p0  }
0x20: {  	[sflag:s8] =	ssyncset.s32 @!p0 $0xFFFFF086;
	s6 =	sadd.s32 @!p0 s3, s7;
	s7 =	simm.s32 @!p0 $0x108  }
0x21: {  	s3 =	sadd.s32 s3, s9;
	s6 =	sadd.s32 @!p0 $0x88, s6;
	s7 =	simm.s32 @p2 $0x1082  }
0x22: {  	[simem:s7], [sflag:s8] =	dma.local @!p0 [hbm:s6], $0xF7A  }
0x23: {  	s9 =	sor.u32 $0xD0000000, s2;
	s6 =	simm.s32 $0x108;
	_ =	swait.ge @!p0 [sflag:s8], $0x0  }
0x24: {  	s3 =	sadd.s32 $0x88, s3;
	s6 =	simm.s32 @!p1 $0x1082;
	[sflag:s4] =	ssyncset.s32 $0xFFFFF086  }
0x25: {  	[simem:s6], [sflag:s4] =	dma.local [hbm:s3], $0xF7A  }
0x26: {  	[smem:$0x3F8A] =	sst s1;
	(tag) =	ssettag s2;
	_ =	strace s9  }
0x27: {  	s1 =	sld [smem:$0x3F9A]  }
0x28: {  	s2 =	sld [smem:$0x3F9B]  }
0x29: {  	s4 =	sld [smem:$0x3F9D]  }
0x2a: {  	p0 =	seq.s32 s5, $0x0;
	s5 =	sld [smem:$0x3F9E]  }
0x2b: {  	s6 =	sld [smem:$0x3F9F]  }
0x2c: {  	s7 =	sld [smem:$0x3FA0]  }
0x2d: {  	s3 =	simm.s32 $0x108;
	s8 =	sld [smem:$0x3FA1]  }
0x2e: {  	s3 =	simm.s32 @!p0 $0x1082;
	s9 =	sld [smem:$0x3FA2]  }
0x2f: {  	lr =	sadd.s32 s0, s3;
	s0 =	sld [smem:$0x3F99]  }
0x30: {  	s3 =	sld [smem:$0x3F9C]  }
0x31: {  	[smem:$0x3FA5] =	sst s10  }
0x32: {  	s10 =	sld [smem:$0x3FA3];
	_ =	sdelay $0x3  }
0x33: {  	p0 =	seq.s32 s10, $0x1;
	s10 =	sld [smem:$0x3FA5];
	_ =	sdelay $0x3  }
0x34: {  	[smem:$0x3FA5] =	sst s10  }
0x35: {  	s10 =	sld [smem:$0x3FA4];
	_ =	sdelay $0x3  }
0x36: {  	p1 =	seq.s32 s10, $0x1;
	s10 =	sld [smem:$0x3FA5];
	_ =	sdelay $0x3  }
0x37: {  	[smem:$0x3FA5] =	sst s10  }
0x38: {  	s10 =	sld [smem:$0x3FA6]  }
0x39: {  	_ = 	snop;
	(pc) =	sbr.ind lr, $3  }
0x3a: {  	_ = 	snop  }
0x3b: {  	_ = 	snop  }
0x3c: {  	p2 =	seq.s32 s10, $0x1;
	s10 =	sld [smem:$0x3FA5]  }
0x3d: {  	_ =	shalt  }
0x3e: {  	_ =	shalt  }
0x3f: {  	_ =	shalt  }
0x40: {  	_ =	shalt  }
0x41: {  	_ =	shalt  }
0x42: {  	_ =	shalt  }
0x43: {  	_ =	shalt  }
0x44: {  	_ =	shalt  }
0x45: {  	_ =	shalt  }
0x46: {  	_ =	shalt  }
0x47: {  	_ =	shalt  }
0x48: {  	_ =	shalt  }
0x49: {  	_ =	shalt  }
0x4a: {  	_ =	shalt  }
0x4b: {  	_ =	shalt  }
0x4c: {  	_ =	shalt  }
0x4d: {  	_ =	shalt  }
0x4e: {  	_ =	shalt  }
0x4f: {  	_ =	shalt  }
0x50: {  	_ =	shalt  }
0x51: {  	_ =	shalt  }
0x52: {  	_ =	shalt  }
0x53: {  	_ =	shalt  }
0x54: {  	_ =	shalt  }
0x55: {  	_ =	shalt  }
0x56: {  	_ =	shalt  }
0x57: {  	_ =	shalt  }
0x58: {  	_ =	shalt  }
0x59: {  	_ =	shalt  }
0x5a: {  	_ =	shalt  }
0x5b: {  	_ =	shalt  }
0x5c: {  	_ =	shalt  }
0x5d: {  	_ =	shalt  }
0x5e: {  	_ =	shalt  }
0x5f: {  	_ =	shalt  }
0x60: {  	_ =	shalt  }
0x61: {  	_ =	shalt  }
0x62: {  	_ =	shalt  }
0x63: {  	_ =	shalt  }
0x64: {  	_ =	shalt  }
0x65: {  	_ =	shalt  }
0x66: {  	_ =	shalt  }
0x67: {  	_ =	shalt  }
0x68: {  	_ =	shalt  }
0x69: {  	_ =	shalt  }
0x6a: {  	_ =	shalt  }
0x6b: {  	_ =	shalt  }
0x6c: {  	_ =	shalt  }
0x6d: {  	_ =	shalt  }
0x6e: {  	_ =	shalt  }
0x6f: {  	_ =	shalt  }
0x70: {  	_ =	shalt  }
0x71: {  	_ =	shalt  }
0x72: {  	_ =	shalt  }
0x73: {  	_ =	shalt  }
0x74: {  	_ =	shalt  }
0x75: {  	_ =	shalt  }
0x76: {  	_ =	shalt  }
0x77: {  	_ =	shalt  }
0x78: {  	_ =	shalt  }
0x79: {  	_ =	shalt  }
0x7a: {  	_ =	shalt  }
0x7b: {  	_ =	shalt  }
0x7c: {  	_ =	shalt  }
0x7d: {  	_ =	shalt  }
0x7e: {  	_ =	shalt  }
0x7f: {  	_ =	shalt  }
0x80: {  	_ =	shalt  }
0x81: {  	_ =	shalt  }
0x82: {  	_ =	shalt  }
0x83: {  	_ =	shalt  }
0x84: {  	_ =	shalt  }
0x85: {  	_ =	shalt  }
0x86: {  	_ =	shalt  }
0x87: {  	_ =	shalt  }
.Lfunc_end0:
.L_simem_size_0:
called_computation.1_lowered:
.L_overlay_start_0:
0x88: {  	s2 =	sld [smem:$0x3FD9]  }
0x89: {  	s3 =	sld [smem:$0x3FFE];
	_ =	sdelay $0x1  }
0x8a: {  	s1 =	srdreg.scid  }
0x8b: {  	s0 =	sand.u32 $0x1, s1  }
0x8c: {  	s16 =	sshll.u32 s0, $0xA;
	s2 =	sadd.s32 s3, s2  }
0x8d: {  	s2 =	sadd.s32 s2, s16  }
0x8e: {  	[smem:$0x3FB1] =	sst s2  }
0x8f: {  	_ = 	snop  }
0x90: {  	(tm) =	ssettm $0x1  }
0x91: {  	s17 =	sld [smem:$0x3FFB];
	_ =	sdelay $0x3  }
0x92: {  	_ =	strace s17  }
0x93: {  	s2 =	sld [smem:$0x3FFC];
	_ =	sdelay $0x3  }
0x94: {  	_ =	strace s2  }
0x95: {  	s2 =	sld [smem:$0x3FFD];
	_ =	sdelay $0x3  }
0x96: {  	_ =	strace s2  }
0x97: {  	_ =	strace $0x8FFFFFFF  }
0x98: {  	s18 =	sld [smem:$0x3FDB];
	_ =	sdelay $0x1  }
0x99: {  	s19 =	simm.s32 $_scs_section_size  }
0x9a: {  	s4 =	simm.s32 $_size__tile_overlayer_lowered;
	s5 =	simm.s32 $_tile_overlayer_lowered  }
0x9b: {  	s22 =	simm.s32 $0x1BFF;
	s21 =	sshll.u32 s5, $0x1;
	s2 =	sadd.s32 s19, s18  }
0x9c: {  	s6 =	simm.s32 $0x0;
	s20 =	sshll.u32 s4, $0x1;
	s4 =	sadd.s32 s21, s2  }
0x9d: {  	[timem:s6], [sflag:s22] =	dma.local [hbm:s4], s20  }
0x9e: {  	_ =	swait.ge [sflag:s22], s20  }
0x9f: {  	s3 =	ssub.s32 $0x0, s20;
	[sflag:s22] =	ssyncset.done $0x0  }
0xa0: {  	[sflag:s22] =	ssyncadd.s32 s3;
	_ =	sdelay $0x1  }
0xa1: {  	s23 =	simm.s32 $0x1B8B  }
0xa2: {  	_ =	swait.ge [sflag:s23], $0x1  }
0xa3: {  	[sflag:s23] =	ssyncset.done $0x0  }
0xa4: {  	s25 =	simm.s32 $0x1B8E;
	s24 =	sld [smem:$0x3FFE];
	[sflag:s23] =	ssyncadd.s32 $0xFFFFFFFF  }
0xa5: {  	s26 =	simm.s32 $execute0_lowered;
	[smem:$0x3FD2] =	sst s25  }
0xa6: {  	s4 =	sshll.u32 s26, $0x1;
	_ =	strace $0x80000049;
	[dreg:$0x1] =	wrdreg $0xFFFFFFFF  }
0xa7: {  	s28 =	simm.s32 $_size_execute0_lowered;
	s2 =	sadd.s32 s2, s4;
	[dreg:$0x0] =	wrdreg $0x0  }
0xa8: {  	s4 =	sshll.u32 s28, $0x1;
	[dreg:$0x2] =	wrdreg s2  }
0xa9: {  	[dreg:$0x3] =	wrdreg s4  }
0xaa: {  	[dreg:$0x4] =	wrdreg $0xC0  }
0xab: {  	_ =	task [dreg:s6], $0x5FFFF  }
0xac: {  	[dreg:$0x1] =	wrdreg $0xFFFFFFFF  }
0xad: {  	[dreg:$0x0] =	wrdreg $0x60  }
0xae: {  	[dreg:$0x2] =	wrdreg s24  }
0xaf: {  	[dreg:$0x3] =	wrdreg $0x148200  }
0xb0: {  	[dreg:$0x4] =	wrdreg $0x9  }
0xb1: {  	_ =	task.clear_ibuf [dreg:s6], $0x5FFFF;
	_ =	strace $0x90000049  }
0xb2: {  	s29 =	simm.s32 $0x9;
	_ =	strace $0x8000004B  }
0xb3: {  	_ =	swait.ge [sflag:s29], $0x1  }
0xb4: {  	[sflag:s29] =	ssyncadd.s32 $0xFFFFFFFF  }
0xb5: {  	_ =	strace $0x9000004B  }
0xb6: {  	_ =	sfence  }
0xb7: {  	s30 =	sld [smem:$0x0];
	_ =	sdelay $0x2  }
0xb8: {  	s31 =	sshll.u32 s1, $0xD;
	s1 =	sshrl.u32 s1, $0x2  }
0xb9: {  	s3 =	sand.u32 $0x4000, s31;
	s1 =	sadd.s32 s1, s30  }
0xba: {  	s0 =	sor.u32 s3, s0;
	s1 =	sshll.u32 s1, $0x11  }
0xbb: {  	s0 =	sor.u32 s1, s0  }
0xbc: {  	s0 =	sadd.s32 $0x8F2B, s0  }
0xbd: {  	[sflag:s0] =	ssyncadd.remote.s32 $0x1  }
0xbe: {  	_ =	sfence.sel $0xFFFF  }
0xbf: {  	[dreg:$0x0] =	wrdreg $0xFFFFFFFF;
	(pc) =	sbr.abs _section_cstart, $3  }
0xc0: {  	[dreg:$0x1] =	wrdreg $0xFFFFFFFF  }
0xc1: {  	_ =	task.clear_ibuf [dreg:s6], $0x2FFFF;
	_ =	strace $0x9FFFFFFF  }
0xc2: {  	(tm) =	ssettm $0x7FFFFFFF  }
0xc3: {  	_ =	shalt  }
tec
execute0_lowered:
.L_overlay_start_1:
0x0: {  	(tag) =	ssettag $0x1  }
0x1: {  	s0 =	srdreg.scid;
	s5 =	rddreg [dreg:$0x0]  }
0x2: {  	s10 =	stileid.u32;
	s2 =	rddreg [dreg:$0x1]  }
0x3: {  	s3 =	simm.s32 $0x0;
	s12 =	simm.s32 $0xB;
	s13 =	simm.s32 $0x2710  }
0x4: {  	s14 =	simm.s32 $0xC8;
	s15 =	simm.s32 $0x4E20;
	s16 =	simm.s32 $0x8020  }
0x5: {  	s17 =	simm.s32 $0x1;
	s19 =	simm.s32 $0xB220;
	s20 =	simm.s32 $0x2  }
0x6: {  	s23 =	simm.s32 $0xE420;
	s28 =	simm.s32 $0x11620;
	s29 =	simm.s32 $0x4  }
0x7: {  	s31 =	simm.s32 $0x6;
	s21 =	simm.s32 $0x7;
	s30 =	simm.s32 $0xA  }
0x8: {  	s0 =	sand.u32 $0x1, s0;
	s1 =	sshll.u32 s10, $0x1;
	s6 =	smul.u32 $0xA000, s10  }
0x9: {  	[smem:$0x7FF] =	sst s3;
	s4 =	sadd.s32 $0x18000, s5;
	s24 =	sshll.u32 s10, $0x6  }
0xa: {  	s1 =	sor.u32 s0, s1;
	s7 =	smul.u32 $0xA0000, s0;
	_ =	strace $0x8000004A  }
0xb: {  	s0 =	ssub.s32 $0x2, s0;
	s1 =	smul.u32 $0x2710, s1;
	s8 =	sshrl.u32 s6, $0x3  }
0xc: {  	s9 =	sshrl.u32 s0, $0x1;
	s11 =	sadd.s32 s6, s2;
	s7 =	sadd.s32 s6, s7  }
0xd: {  	s8 =	sadd.s32 s8, s5;
	s0 =	ssub.s32 s0, s9;
	s6 =	sor.u32 $0x1C0B, s24  }
0xe: {  	s11 =	sshrl.u32 s11, $0x3;
	s24 =	simm.s32 $0x3;
	s1 =	sshrl.u32 s1, $0x3  }
.Ltmp0:
0xf: {  	s7 =	sshrl.u32 s7, $0x3;
	s25 =	sadd.s32 $0x2BA00, s8;
	(pc) =	sbr.rel .LBB2_1-.Ltmp0, $4  }
0x10: {  	s10 =	smax.u32 s0, $0x1;
	s0 =	simm.s32 $0x5;
	s1 =	sadd.s32 s1, s5  }
0x11: {  	s5 =	sadd.s32 s7, s5;
	[dreg:$0x3] =	wrdreg s25;
	s25 =	simm.s32 $0x8  }
0x12: {  	s26 =	sadd.s32 $0x4600, s1;
	s8 =	sadd.s32 $0xE240, s1;
	s9 =	sadd.s32 $0x3FA00, s5  }
0x13: {  	s1 =	simm.s32 $0x0;
	[dreg:$0x4] =	wrdreg s26;
	s26 =	simm.s32 $0x9  }
.LBB2_4:
0x14: {  	_ =	swait.ge [sflag:s0], $0x3200  }
0x15: {  	[sflag:s0] =	ssyncset.done $0x0  }
0x16: {  	[sflag:s0] =	ssyncadd.s32 $0xFFFFCE00  }
0x17: {  	[spmem:s2] =	stream.indirect.scatter.add.f32 [tilespmem:s28], [sflag:$0xA], $0x40, s5, s14, $0xb8;
	[tilespmem:$0x1E820] =	vst v63  }
0x18: {  	_ =	swait.ge [sflag:s21], $0x3200  }
0x19: {  	[sflag:s21] =	ssyncset.done $0x0  }
0x1a: {  	[sflag:s21] =	ssyncadd.s32 $0xFFFFCE00  }
0x1b: {  	_ =	swait.ge [sflag:s25], $0x3200  }
0x1c: {  	[sflag:s25] =	ssyncset.done $0x0  }
0x1d: {  	[sflag:s25] =	ssyncadd.s32 $0xFFFFCE00  }
0x1e: {  	_ =	swait.ge [sflag:s26], $0x3200  }
0x1f: {  	[sflag:s26] =	ssyncset.done $0x0  }
0x20: {  	[sflag:s26] =	ssyncadd.s32 $0xFFFFCE00  }
0x21: {  	_ =	swait.ge [sflag:s30], $0x3200  }
0x22: {  	s1 =	sadd.s32 $0x1, s1;
	[sflag:s30] =	ssyncset.done $0x0  }
0x23: {  	p0 =	sne.s32 s1, s10;
	[sflag:s30] =	ssyncadd.s32 $0xFFFFCE00  }
.Ltmp1:
0x24: {  	[bflag:$0x0] =	sbarrier.arrive $0xFFFF;
	(pc) =	sbr.rel @!p0 .LBB2_5-.Ltmp1, $4  }
0x25: {  	[hbm:s9], [sflag:s6] =	dma.local [spmem:s11], $0x1400  }
0x26: {  	_ =	swait.ge [sflag:s12], $0x1400  }
0x27: {  	[sflag:s12] =	ssyncset.done $0x0  }
0x28: {  	[sflag:s12] =	ssyncadd.s32 $0xFFFFEC00  }
.LBB2_1:
0x29: {  	s5 =	rddreg [dreg:$0x3]  }
0x2a: {  	[spmem:s11], [sflag:s6] =	dma.local [hbm:s5], $0x1400  }
0x2b: {  	_ =	swait.ge [sflag:s12], $0x1400  }
0x2c: {  	[sflag:s12] =	ssyncset.done $0x0  }
0x2d: {  	s22 =	rddreg [dreg:$0x4];
	[sflag:s12] =	ssyncadd.s32 $0xFFFFEC00  }
0x2e: {  	[tilespmem:s3], [sflag:$0xB] =	stream.linear.gather [hbm4b:s22+s3], $0x2710, $0x38;
	[tilespmem:$0x1E820] =	vst v63  }
0x2f: {  	_ =	swait.ge [sflag:s12], $0x2710  }
0x30: {  	[sflag:s12] =	ssyncset.done $0x0  }
0x31: {  	[sflag:s12] =	ssyncadd.s32 $0xFFFFD8F0  }
0x32: {  	[tilespmem:s13], [sflag:$0xB] =	stream.linear.gather [hbm4b:s8+s3], $0x2710, $0x38;
	[tilespmem:$0x1E820] =	vst v63  }
0x33: {  	_ =	swait.ge [sflag:s12], $0x2710  }
0x34: {  	[sflag:s12] =	ssyncset.done $0x0  }
0x35: {  	[sflag:s12] =	ssyncadd.s32 $0xFFFFD8F0  }
0x36: {  	[bflag:$0x0] =	sbarrier.arrive $0xFFFF  }
0x37: {  	[tilespmem:s15], [sflag:$0x1] =	stream.indirect.gather [hbm4b:s4+s14], $0x40, s3, s14, $0xb8;
	[tilespmem:$0x1E820] =	vst v63  }
0x38: {  	_ = 	snop  }
0x39: {  	[tilespmem:s16], [sflag:$0x2] =	stream.indirect.gather [hbm4b:s4+s14], $0x40, s14, s14, $0xb8;
	[tilespmem:$0x1E820] =	vst v63  }
0x3a: {  	_ =	swait.ge [sflag:s17], $0x3200  }
0x3b: {  	[sflag:s17] =	ssyncset.done $0x0  }
0x3c: {  	[sflag:s17] =	ssyncadd.s32 $0xFFFFCE00  }
0x3d: {  	[spmem:s2] =	stream.indirect.scatter.add.f32 [tilespmem:s15], [sflag:$0x6], $0x40, s13, s14, $0xb8;
	[tilespmem:$0x1E820] =	vst v63  }
0x3e: {  	s7 =	simm.s32 $0x190  }
0x3f: {  	[tilespmem:s19], [sflag:$0x3] =	stream.indirect.gather [hbm4b:s4+s14], $0x40, s7, s14, $0xb8;
	[tilespmem:$0x1E820] =	vst v63  }
0x40: {  	_ =	swait.ge [sflag:s20], $0x3200  }
0x41: {  	[sflag:s20] =	ssyncset.done $0x0  }
0x42: {  	s18 =	simm.s32 $0x27D8;
	[sflag:s20] =	ssyncadd.s32 $0xFFFFCE00  }
0x43: {  	[spmem:s2] =	stream.indirect.scatter.add.f32 [tilespmem:s16], [sflag:$0x7], $0x40, s18, s14, $0xb8;
	[tilespmem:$0x1E820] =	vst v63  }
0x44: {  	s22 =	simm.s32 $0x258  }
0x45: {  	[tilespmem:s23], [sflag:$0x4] =	stream.indirect.gather [hbm4b:s4+s14], $0x40, s22, s14, $0xb8;
	[tilespmem:$0x1E820] =	vst v63  }
0x46: {  	_ =	swait.ge [sflag:s24], $0x3200  }
0x47: {  	[sflag:s24] =	ssyncset.done $0x0  }
0x48: {  	s7 =	simm.s32 $0x28A0;
	[sflag:s24] =	ssyncadd.s32 $0xFFFFCE00  }
0x49: {  	[spmem:s2] =	stream.indirect.scatter.add.f32 [tilespmem:s19], [sflag:$0x8], $0x40, s7, s14, $0xb8;
	[tilespmem:$0x1E820] =	vst v63  }
0x4a: {  	s18 =	simm.s32 $0x320  }
0x4b: {  	[tilespmem:s28], [sflag:$0x5] =	stream.indirect.gather [hbm4b:s4+s14], $0x40, s18, s14, $0xb8;
	[tilespmem:$0x1E820] =	vst v63  }
0x4c: {  	_ =	swait.ge [sflag:s29], $0x3200  }
0x4d: {  	[sflag:s29] =	ssyncset.done $0x0  }
0x4e: {  	s22 =	simm.s32 $0x2968;
	[sflag:s29] =	ssyncadd.s32 $0xFFFFCE00  }
0x4f: {  	[spmem:s2] =	stream.indirect.scatter.add.f32 [tilespmem:s23], [sflag:$0x9], $0x40, s22, s14, $0xb8;
	[tilespmem:$0x1E820] =	vst v63  }
0x50: {  	_ =	swait.ge [sflag:s31], $0x3200  }
0x51: {  	[sflag:s31] =	ssyncset.done $0x0  }
0x52: {  	s7 =	simm.s32 $0x3E8;
	[sflag:s31] =	ssyncadd.s32 $0xFFFFCE00  }
0x53: {  	[tilespmem:s15], [sflag:$0x1] =	stream.indirect.gather [hbm4b:s4+s14], $0x40, s7, s14, $0xb8;
	[tilespmem:$0x1E820] =	vst v63  }
0x54: {  	_ =	swait.ge [sflag:s0], $0x3200  }
0x55: {  	[sflag:s0] =	ssyncset.done $0x0  }
0x56: {  	s18 =	simm.s32 $0x2A30;
	[sflag:s0] =	ssyncadd.s32 $0xFFFFCE00  }
0x57: {  	[spmem:s2] =	stream.indirect.scatter.add.f32 [tilespmem:s28], [sflag:$0xA], $0x40, s18, s14, $0xb8;
	[tilespmem:$0x1E820] =	vst v63  }
0x58: {  	_ =	swait.ge [sflag:s21], $0x3200  }
0x59: {  	[sflag:s21] =	ssyncset.done $0x0  }
0x5a: {  	s22 =	simm.s32 $0x4B0;
	s18 =	simm.s32 $0x0;
	[sflag:s21] =	ssyncadd.s32 $0xFFFFCE00  }
0x5b: {  	[tilespmem:s16], [sflag:$0x2] =	stream.indirect.gather [hbm4b:s4+s14], $0x40, s22, s14, $0xb8;
	[tilespmem:$0x1E820] =	vst v63  }
.LBB2_2:
0x5c: {  	_ =	swait.ge [sflag:s17], $0x3200  }
0x5d: {  	s22 =	sshra.s32 s18, $0x2;
	[sflag:s17] =	ssyncset.done $0x0  }
0x5e: {  	s5 =	sadd.s32 $0x2AF8, s22;
	[sflag:s17] =	ssyncadd.s32 $0xFFFFCE00  }
0x5f: {  	[spmem:s2] =	stream.indirect.scatter.add.f32 [tilespmem:s15], [sflag:$0x6], $0x40, s5, s14, $0xb8;
	[tilespmem:$0x1E820] =	vst v63  }
0x60: {  	_ =	swait.ge [sflag:s25], $0x3200  }
0x61: {  	[sflag:s25] =	ssyncset.done $0x0  }
0x62: {  	s7 =	sadd.s32 $0x578, s22;
	[sflag:s25] =	ssyncadd.s32 $0xFFFFCE00  }
0x63: {  	[tilespmem:s19], [sflag:$0x3] =	stream.indirect.gather [hbm4b:s4+s14], $0x40, s7, s14, $0xb8;
	[tilespmem:$0x1E820] =	vst v63  }
0x64: {  	_ =	swait.ge [sflag:s20], $0x3200  }
0x65: {  	[sflag:s20] =	ssyncset.done $0x0  }
0x66: {  	s7 =	sadd.s32 $0x2BC0, s22;
	[sflag:s20] =	ssyncadd.s32 $0xFFFFCE00  }
0x67: {  	[spmem:s2] =	stream.indirect.scatter.add.f32 [tilespmem:s16], [sflag:$0x7], $0x40, s7, s14, $0xb8;
	[tilespmem:$0x1E820] =	vst v63  }
0x68: {  	_ =	swait.ge [sflag:s26], $0x3200  }
0x69: {  	[sflag:s26] =	ssyncset.done $0x0  }
0x6a: {  	s7 =	sadd.s32 $0x640, s22;
	[sflag:s26] =	ssyncadd.s32 $0xFFFFCE00  }
0x6b: {  	[tilespmem:s23], [sflag:$0x4] =	stream.indirect.gather [hbm4b:s4+s14], $0x40, s7, s14, $0xb8;
	[tilespmem:$0x1E820] =	vst v63  }
0x6c: {  	_ =	swait.ge [sflag:s24], $0x3200  }
0x6d: {  	[sflag:s24] =	ssyncset.done $0x0  }
0x6e: {  	s7 =	sadd.s32 $0x2C88, s22;
	[sflag:s24] =	ssyncadd.s32 $0xFFFFCE00  }
0x6f: {  	[spmem:s2] =	stream.indirect.scatter.add.f32 [tilespmem:s19], [sflag:$0x8], $0x40, s7, s14, $0xb8;
	[tilespmem:$0x1E820] =	vst v63  }
0x70: {  	_ =	swait.ge [sflag:s30], $0x3200  }
0x71: {  	[sflag:s30] =	ssyncset.done $0x0  }
0x72: {  	s7 =	sadd.s32 $0x708, s22;
	[sflag:s30] =	ssyncadd.s32 $0xFFFFCE00  }
0x73: {  	[tilespmem:s28], [sflag:$0x5] =	stream.indirect.gather [hbm4b:s4+s14], $0x40, s7, s14, $0xb8;
	[tilespmem:$0x1E820] =	vst v63  }
0x74: {  	_ =	swait.ge [sflag:s29], $0x3200  }
0x75: {  	p0 =	seq.s32 s18, $0x7D00;
	[sflag:s29] =	ssyncset.done $0x0  }
.Ltmp2:
0x76: {  	s7 =	sadd.s32 $0x2D50, s22;
	[sflag:s29] =	ssyncadd.s32 $0xFFFFCE00;
	(pc) =	sbr.rel @p0 .LBB2_4-.Ltmp2, $4  }
0x77: {  	[spmem:s2] =	stream.indirect.scatter.add.f32 [tilespmem:s23], [sflag:$0x9], $0x40, s7, s14, $0xb8;
	[tilespmem:$0x1E820] =	vst v63  }
0x78: {  	_ =	swait.ge [sflag:s31], $0x3200  }
0x79: {  	[sflag:s31] =	ssyncset.done $0x0  }
0x7a: {  	s5 =	sadd.s32 $0x2E18, s22;
	[sflag:s31] =	ssyncadd.s32 $0xFFFFCE00  }
0x7b: {  	s7 =	sadd.s32 $0x7D0, s22  }
0x7c: {  	[tilespmem:s15], [sflag:$0x1] =	stream.indirect.gather [hbm4b:s4+s14], $0x40, s7, s14, $0xb8;
	[tilespmem:$0x1E820] =	vst v63  }
0x7d: {  	_ =	swait.ge [sflag:s0], $0x3200  }
0x7e: {  	[sflag:s0] =	ssyncset.done $0x0  }
0x7f: {  	[sflag:s0] =	ssyncadd.s32 $0xFFFFCE00  }
0x80: {  	[spmem:s2] =	stream.indirect.scatter.add.f32 [tilespmem:s28], [sflag:$0xA], $0x40, s5, s14, $0xb8;
	[tilespmem:$0x1E820] =	vst v63  }
.Ltmp3:
0x81: {  	_ = 	snop;
	(pc) =	sbr.rel .LBB2_2-.Ltmp3, $4  }
0x82: {  	_ =	swait.ge [sflag:s21], $0x3200  }
0x83: {  	[sflag:s21] =	ssyncset.done $0x0  }
0x84: {  	s22 =	sadd.s32 $0x898, s22;
	s18 =	sadd.s32 $0xFA0, s18;
	[sflag:s21] =	ssyncadd.s32 $0xFFFFCE00  }
0x85: {  	[tilespmem:s16], [sflag:$0x2] =	stream.indirect.gather [hbm4b:s4+s14], $0x40, s22, s14, $0xb8;
	[tilespmem:$0x1E820] =	vst v63  }
.LBB2_5:
0x86: {  	_ =	sfence.sel $0x180000  }
0x87: {  	[bflag:$0x0] =	sbarrier.arrive $0xFFFF  }
0x88: {  	_ =	strace $0x9000004A  }
0x89: {  	s0 =	stileid.u32;
	[bflag:$0x2] =	sbarrier.arrive $0xFFFF  }
0x8a: {  	p0 =	sne.s32 s0, $0x0;
	s0 =	rddreg [dreg:$0x2]  }
0x8b: {  	s0 =	sadd.s32 @!p0 $0x100000, s0  }
0x8c: {  	[sflag:s0] =	ssyncadd.tile.s32 @!p0 $0x1;
	_ =	shalt  }
.Lfunc_end2:
_tile_overlayer_lowered:
.L_overlay_start_2:
0x8d: {  	(tag) =	ssettag $0x2  }
0x8e: {  	s0 =	rddreg [dreg:$0x0];
	s2 =	stileid.u32  }
0x8f: {  	s1 =	rddreg [dreg:$0x1];
	p0 =	sne.s32 s2, $0x0  }
0x90: {  	s3 =	rddreg [dreg:$0x2];
	[bflag:$0x3] =	sbarrier.arrive $0xFFFF;
	s2 =	simm.s32 @!p0 $0x1C0B  }
0x91: {  	[timem:s3], [sflag:s2] =	dma.local @!p0 [hbm:s0], s1  }
0x92: {  	s0 =	simm.s32 @!p0 $0xB  }
0x93: {  	_ =	swait.ge @!p0 [sflag:s0], s1  }
0x94: {  	s1 =	ssub.s32 @!p0 $0x0, s1;
	[sflag:s0] =	ssyncset.done @!p0 $0x0  }
0x95: {  	[sflag:s0] =	ssyncadd.s32 @!p0 s1  }
0x96: {  	[bflag:$0x3] =	sbarrier.arrive $0xFFFF  }
0x97: {  	_ =	shalt  }

// kernel: kernel.7.cloned.1.call-start
scs
__scs_entry_jumppad:
0x0: {  	(pc) =	sbr.rel $0x88, $3  }
0x1: {  	(tag) =	ssettag $0x0;
	lr =	simm.s32 $0x1  }
0x2: {  	[smem:$0x3F8A] =	sst lr;
	_ =	strace $0xD0000000  }
0x3: {  	_ = 	snop  }
0x4: {  	_ = 	snop  }
0x5: {  	_ = 	snop  }
0x6: {  	_ = 	snop  }
0x7: {  	_ = 	snop  }
__scs_overlays_trampoline_lowered:
0x8: {  	[smem:$0x3F99] =	sst s0  }
0x9: {  	[smem:$0x3F9A] =	sst s1  }
0xa: {  	[smem:$0x3F9B] =	sst s2  }
0xb: {  	[smem:$0x3F9C] =	sst s3  }
0xc: {  	[smem:$0x3F9D] =	sst s4  }
0xd: {  	[smem:$0x3F9E] =	sst s5  }
0xe: {  	[smem:$0x3F9F] =	sst s6  }
0xf: {  	[smem:$0x3FA0] =	sst s7  }
0x10: {  	[smem:$0x3FA1] =	sst s8  }
0x11: {  	[smem:$0x3FA2] =	sst s9;
	s0 =	simm.s32 @!p0 $0x0  }
0x12: {  	s1 =	sld [smem:$0x3F88];
	s0 =	simm.s32 @p0 $0x1  }
0x13: {  	[smem:$0x3FA3] =	sst s0;
	s0 =	simm.s32 @!p1 $0x0  }
0x14: {  	s2 =	sld [smem:$0x3F87];
	s0 =	simm.s32 @p1 $0x1  }
0x15: {  	[smem:$0x3FA4] =	sst s0;
	s0 =	simm.s32 @!p2 $0x0  }
0x16: {  	s3 =	sld [smem:$0x3FDB];
	s0 =	simm.s32 @p2 $0x1  }
0x17: {  	s4 =	simm.s32 $0x1BF5;
	[smem:$0x3FA6] =	sst s0  }
0x18: {  	s0 =	sld [smem:$0x3F89];
	_ =	swait.ge [sflag:s4], $0x0  }
0x19: {  	s7 =	sld [smem:$0x3F8A]  }
0x1a: {  	s8 =	sadd.s32 $0xFFFFE003, lr  }
0x1b: {  	s9 =	sadd.s32 $0xFFFFFEF7, lr;
	s5 =	simm.s32 $0xFFFFFFFF;
	p2 =	slt.u32 s8, $0xFFFFF086  }
0x1c: {  	p1 =	slt.u32 s9, $0xF7A;
	s5 =	simm.s32 @!p2 $0x0  }
0x1d: {  	s5 =	simm.s32 @p1 $0x1;
	p0 =	seq.s32 s7, s2  }
0x1e: {  	s7 =	smul.u32 @!p0 $0xF7A, s2;
	p2 =	seq.s32 @!p0 s5, $0x0  }
0x1f: {  	s9 =	smul.u32 $0xF7A, s1;
	s8 =	simm.s32 @!p0 $0x1BF5;
	p2 =	por !p2, p0  }
0x20: {  	[sflag:s8] =	ssyncset.s32 @!p0 $0xFFFFF086;
	s6 =	sadd.s32 @!p0 s3, s7;
	s7 =	simm.s32 @!p0 $0x108  }
0x21: {  	s3 =	sadd.s32 s3, s9;
	s6 =	sadd.s32 @!p0 $0x88, s6;
	s7 =	simm.s32 @p2 $0x1082  }
0x22: {  	[simem:s7], [sflag:s8] =	dma.local @!p0 [hbm:s6], $0xF7A  }
0x23: {  	s9 =	sor.u32 $0xD0000000, s2;
	s6 =	simm.s32 $0x108;
	_ =	swait.ge @!p0 [sflag:s8], $0x0  }
0x24: {  	s3 =	sadd.s32 $0x88, s3;
	s6 =	simm.s32 @!p1 $0x1082;
	[sflag:s4] =	ssyncset.s32 $0xFFFFF086  }
0x25: {  	[simem:s6], [sflag:s4] =	dma.local [hbm:s3], $0xF7A  }
0x26: {  	[smem:$0x3F8A] =	sst s1;
	(tag) =	ssettag s2;
	_ =	strace s9  }
0x27: {  	s1 =	sld [smem:$0x3F9A]  }
0x28: {  	s2 =	sld [smem:$0x3F9B]  }
0x29: {  	s4 =	sld [smem:$0x3F9D]  }
0x2a: {  	p0 =	seq.s32 s5, $0x0;
	s5 =	sld [smem:$0x3F9E]  }
0x2b: {  	s6 =	sld [smem:$0x3F9F]  }
0x2c: {  	s7 =	sld [smem:$0x3FA0]  }
0x2d: {  	s3 =	simm.s32 $0x108;
	s8 =	sld [smem:$0x3FA1]  }
0x2e: {  	s3 =	simm.s32 @!p0 $0x1082;
	s9 =	sld [smem:$0x3FA2]  }
0x2f: {  	lr =	sadd.s32 s0, s3;
	s0 =	sld [smem:$0x3F99]  }
0x30: {  	s3 =	sld [smem:$0x3F9C]  }
0x31: {  	[smem:$0x3FA5] =	sst s10  }
0x32: {  	s10 =	sld [smem:$0x3FA3];
	_ =	sdelay $0x3  }
0x33: {  	p0 =	seq.s32 s10, $0x1;
	s10 =	sld [smem:$0x3FA5];
	_ =	sdelay $0x3  }
0x34: {  	[smem:$0x3FA5] =	sst s10  }
0x35: {  	s10 =	sld [smem:$0x3FA4];
	_ =	sdelay $0x3  }
0x36: {  	p1 =	seq.s32 s10, $0x1;
	s10 =	sld [smem:$0x3FA5];
	_ =	sdelay $0x3  }
0x37: {  	[smem:$0x3FA5] =	sst s10  }
0x38: {  	s10 =	sld [smem:$0x3FA6]  }
0x39: {  	_ = 	snop;
	(pc) =	sbr.ind lr, $3  }
0x3a: {  	_ = 	snop  }
0x3b: {  	_ = 	snop  }
0x3c: {  	p2 =	seq.s32 s10, $0x1;
	s10 =	sld [smem:$0x3FA5]  }
0x3d: {  	_ =	shalt  }
0x3e: {  	_ =	shalt  }
0x3f: {  	_ =	shalt  }
0x40: {  	_ =	shalt  }
0x41: {  	_ =	shalt  }
0x42: {  	_ =	shalt  }
0x43: {  	_ =	shalt  }
0x44: {  	_ =	shalt  }
0x45: {  	_ =	shalt  }
0x46: {  	_ =	shalt  }
0x47: {  	_ =	shalt  }
0x48: {  	_ =	shalt  }
0x49: {  	_ =	shalt  }
0x4a: {  	_ =	shalt  }
0x4b: {  	_ =	shalt  }
0x4c: {  	_ =	shalt  }
0x4d: {  	_ =	shalt  }
0x4e: {  	_ =	shalt  }
0x4f: {  	_ =	shalt  }
0x50: {  	_ =	shalt  }
0x51: {  	_ =	shalt  }
0x52: {  	_ =	shalt  }
0x53: {  	_ =	shalt  }
0x54: {  	_ =	shalt  }
0x55: {  	_ =	shalt  }
0x56: {  	_ =	shalt  }
0x57: {  	_ =	shalt  }
0x58: {  	_ =	shalt  }
0x59: {  	_ =	shalt  }
0x5a: {  	_ =	shalt  }
0x5b: {  	_ =	shalt  }
0x5c: {  	_ =	shalt  }
0x5d: {  	_ =	shalt  }
0x5e: {  	_ =	shalt  }
0x5f: {  	_ =	shalt  }
0x60: {  	_ =	shalt  }
0x61: {  	_ =	shalt  }
0x62: {  	_ =	shalt  }
0x63: {  	_ =	shalt  }
0x64: {  	_ =	shalt  }
0x65: {  	_ =	shalt  }
0x66: {  	_ =	shalt  }
0x67: {  	_ =	shalt  }
0x68: {  	_ =	shalt  }
0x69: {  	_ =	shalt  }
0x6a: {  	_ =	shalt  }
0x6b: {  	_ =	shalt  }
0x6c: {  	_ =	shalt  }
0x6d: {  	_ =	shalt  }
0x6e: {  	_ =	shalt  }
0x6f: {  	_ =	shalt  }
0x70: {  	_ =	shalt  }
0x71: {  	_ =	shalt  }
0x72: {  	_ =	shalt  }
0x73: {  	_ =	shalt  }
0x74: {  	_ =	shalt  }
0x75: {  	_ =	shalt  }
0x76: {  	_ =	shalt  }
0x77: {  	_ =	shalt  }
0x78: {  	_ =	shalt  }
0x79: {  	_ =	shalt  }
0x7a: {  	_ =	shalt  }
0x7b: {  	_ =	shalt  }
0x7c: {  	_ =	shalt  }
0x7d: {  	_ =	shalt  }
0x7e: {  	_ =	shalt  }
0x7f: {  	_ =	shalt  }
0x80: {  	_ =	shalt  }
0x81: {  	_ =	shalt  }
0x82: {  	_ =	shalt  }
0x83: {  	_ =	shalt  }
0x84: {  	_ =	shalt  }
0x85: {  	_ =	shalt  }
0x86: {  	_ =	shalt  }
0x87: {  	_ =	shalt  }
.Lfunc_end0:
.L_simem_size_0:
called_computation_lowered:
.L_overlay_start_0:
0x88: {  	s2 =	sld [smem:$0x3FD9]  }
0x89: {  	s3 =	sld [smem:$0x3FFE];
	_ =	sdelay $0x1  }
0x8a: {  	s1 =	srdreg.scid  }
0x8b: {  	s0 =	sand.u32 $0x1, s1  }
0x8c: {  	s16 =	sshll.u32 s0, $0xA;
	s2 =	sadd.s32 s3, s2  }
0x8d: {  	s2 =	sadd.s32 s2, s16  }
0x8e: {  	[smem:$0x3FB1] =	sst s2  }
0x8f: {  	_ = 	snop  }
0x90: {  	(tm) =	ssettm $0x1  }
0x91: {  	s17 =	sld [smem:$0x3FFB];
	_ =	sdelay $0x3  }
0x92: {  	_ =	strace s17  }
0x93: {  	s2 =	sld [smem:$0x3FFC];
	_ =	sdelay $0x3  }
0x94: {  	_ =	strace s2  }
0x95: {  	s2 =	sld [smem:$0x3FFD];
	_ =	sdelay $0x3  }
0x96: {  	_ =	strace s2  }
0x97: {  	_ =	strace $0x8FFFFFFF  }
0x98: {  	s18 =	sld [smem:$0x3FDB];
	_ =	sdelay $0x1  }
0x99: {  	s19 =	simm.s32 $_scs_section_size  }
0x9a: {  	s4 =	simm.s32 $_size__tile_overlayer_lowered;
	s5 =	simm.s32 $_tile_overlayer_lowered  }
0x9b: {  	s22 =	simm.s32 $0x1BFF;
	s21 =	sshll.u32 s5, $0x1;
	s2 =	sadd.s32 s19, s18  }
0x9c: {  	s6 =	simm.s32 $0x0;
	s20 =	sshll.u32 s4, $0x1;
	s4 =	sadd.s32 s21, s2  }
0x9d: {  	[timem:s6], [sflag:s22] =	dma.local [hbm:s4], s20  }
0x9e: {  	_ =	swait.ge [sflag:s22], s20  }
0x9f: {  	s3 =	ssub.s32 $0x0, s20;
	[sflag:s22] =	ssyncset.done $0x0  }
0xa0: {  	[sflag:s22] =	ssyncadd.s32 s3;
	_ =	sdelay $0x1  }
0xa1: {  	s23 =	simm.s32 $0x1B8B  }
0xa2: {  	_ =	swait.ge [sflag:s23], $0x1  }
0xa3: {  	[sflag:s23] =	ssyncset.done $0x0  }
0xa4: {  	s25 =	simm.s32 $0x1B8E;
	s24 =	sld [smem:$0x3FFE];
	[sflag:s23] =	ssyncadd.s32 $0xFFFFFFFF  }
0xa5: {  	s26 =	simm.s32 $execute0_lowered;
	[smem:$0x3FD2] =	sst s25  }
0xa6: {  	s4 =	sshll.u32 s26, $0x1;
	_ =	strace $0x80000046;
	[dreg:$0x1] =	wrdreg $0xFFFFFFFF  }
0xa7: {  	s28 =	simm.s32 $_size_execute0_lowered;
	s2 =	sadd.s32 s2, s4;
	[dreg:$0x0] =	wrdreg $0x0  }
0xa8: {  	s4 =	sshll.u32 s28, $0x1;
	[dreg:$0x2] =	wrdreg s2  }
0xa9: {  	[dreg:$0x3] =	wrdreg s4  }
0xaa: {  	[dreg:$0x4] =	wrdreg $0xC0  }
0xab: {  	_ =	task [dreg:s6], $0x5FFFF  }
0xac: {  	[dreg:$0x1] =	wrdreg $0xFFFFFFFF  }
0xad: {  	[dreg:$0x0] =	wrdreg $0x60  }
0xae: {  	[dreg:$0x2] =	wrdreg s24  }
0xaf: {  	[dreg:$0x3] =	wrdreg $0x148200  }
0xb0: {  	[dreg:$0x4] =	wrdreg $0x9  }
0xb1: {  	_ =	task.clear_ibuf [dreg:s6], $0x5FFFF;
	_ =	strace $0x90000046  }
0xb2: {  	s29 =	simm.s32 $0x9;
	_ =	strace $0x80000048  }
0xb3: {  	_ =	swait.ge [sflag:s29], $0x1  }
0xb4: {  	[sflag:s29] =	ssyncadd.s32 $0xFFFFFFFF  }
0xb5: {  	_ =	strace $0x90000048  }
0xb6: {  	_ =	sfence  }
0xb7: {  	s30 =	sld [smem:$0x0];
	_ =	sdelay $0x2  }
0xb8: {  	s31 =	sshll.u32 s1, $0xD;
	s1 =	sshrl.u32 s1, $0x2  }
0xb9: {  	s3 =	sand.u32 $0x4000, s31;
	s1 =	sadd.s32 s1, s30  }
0xba: {  	s0 =	sor.u32 s3, s0;
	s1 =	sshll.u32 s1, $0x11  }
0xbb: {  	s0 =	sor.u32 s1, s0  }
0xbc: {  	s0 =	sadd.s32 $0x8F2B, s0  }
0xbd: {  	[sflag:s0] =	ssyncadd.remote.s32 $0x1  }
0xbe: {  	_ =	sfence.sel $0xFFFF  }
0xbf: {  	[dreg:$0x0] =	wrdreg $0xFFFFFFFF;
	(pc) =	sbr.abs _section_cstart, $3  }
0xc0: {  	[dreg:$0x1] =	wrdreg $0xFFFFFFFF  }
0xc1: {  	_ =	task.clear_ibuf [dreg:s6], $0x2FFFF;
	_ =	strace $0x9FFFFFFF  }
0xc2: {  	(tm) =	ssettm $0x7FFFFFFF  }
0xc3: {  	_ =	shalt  }
tec
execute0_lowered:
.L_overlay_start_1:
0x0: {  	(tag) =	ssettag $0x1  }
0x1: {  	s0 =	srdreg.scid;
	s5 =	rddreg [dreg:$0x0]  }
0x2: {  	s10 =	stileid.u32;
	s2 =	rddreg [dreg:$0x1]  }
0x3: {  	s3 =	simm.s32 $0x0;
	s12 =	simm.s32 $0xB;
	s13 =	simm.s32 $0x2710  }
0x4: {  	s14 =	simm.s32 $0xC8;
	s15 =	simm.s32 $0x4E20;
	s16 =	simm.s32 $0x8020  }
0x5: {  	s17 =	simm.s32 $0x1;
	s19 =	simm.s32 $0xB220;
	s20 =	simm.s32 $0x2  }
0x6: {  	s23 =	simm.s32 $0xE420;
	s28 =	simm.s32 $0x11620;
	s29 =	simm.s32 $0x4  }
0x7: {  	s31 =	simm.s32 $0x6;
	s21 =	simm.s32 $0x7;
	s30 =	simm.s32 $0xA  }
0x8: {  	s0 =	sand.u32 $0x1, s0;
	s1 =	sshll.u32 s10, $0x1;
	s6 =	smul.u32 $0xA000, s10  }
0x9: {  	[smem:$0x7FF] =	sst s3;
	s4 =	sadd.s32 $0x18000, s5;
	s24 =	sshll.u32 s10, $0x6  }
0xa: {  	s1 =	sor.u32 s0, s1;
	s7 =	smul.u32 $0xA0000, s0;
	_ =	strace $0x80000047  }
0xb: {  	s0 =	ssub.s32 $0x2, s0;
	s1 =	smul.u32 $0x2710, s1;
	s8 =	sshrl.u32 s6, $0x3  }
0xc: {  	s9 =	sshrl.u32 s0, $0x1;
	s11 =	sadd.s32 s6, s2;
	s7 =	sadd.s32 s6, s7  }
0xd: {  	s8 =	sadd.s32 s8, s5;
	s0 =	ssub.s32 s0, s9;
	s6 =	sor.u32 $0x1C0B, s24  }
0xe: {  	s11 =	sshrl.u32 s11, $0x3;
	s24 =	simm.s32 $0x3;
	s1 =	sshrl.u32 s1, $0x3  }
.Ltmp0:
0xf: {  	s7 =	sshrl.u32 s7, $0x3;
	s25 =	sadd.s32 $0x2BA00, s8;
	(pc) =	sbr.rel .LBB2_1-.Ltmp0, $4  }
0x10: {  	s10 =	smax.u32 s0, $0x1;
	s0 =	simm.s32 $0x5;
	s1 =	sadd.s32 s1, s5  }
0x11: {  	s5 =	sadd.s32 s7, s5;
	[dreg:$0x3] =	wrdreg s25;
	s25 =	simm.s32 $0x8  }
0x12: {  	s26 =	sadd.s32 $0x4600, s1;
	s8 =	sadd.s32 $0xE240, s1;
	s9 =	sadd.s32 $0x3FA00, s5  }
0x13: {  	s1 =	simm.s32 $0x0;
	[dreg:$0x4] =	wrdreg s26;
	s26 =	simm.s32 $0x9  }
.LBB2_4:
0x14: {  	_ =	swait.ge [sflag:s0], $0x3200  }
0x15: {  	[sflag:s0] =	ssyncset.done $0x0  }
0x16: {  	[sflag:s0] =	ssyncadd.s32 $0xFFFFCE00  }
0x17: {  	[spmem:s2] =	stream.indirect.scatter.add.f32 [tilespmem:s28], [sflag:$0xA], $0x40, s5, s14, $0xb8;
	[tilespmem:$0x1E820] =	vst v63  }
0x18: {  	_ =	swait.ge [sflag:s21], $0x3200  }
0x19: {  	[sflag:s21] =	ssyncset.done $0x0  }
0x1a: {  	[sflag:s21] =	ssyncadd.s32 $0xFFFFCE00  }
0x1b: {  	_ =	swait.ge [sflag:s25], $0x3200  }
0x1c: {  	[sflag:s25] =	ssyncset.done $0x0  }
0x1d: {  	[sflag:s25] =	ssyncadd.s32 $0xFFFFCE00  }
0x1e: {  	_ =	swait.ge [sflag:s26], $0x3200  }
0x1f: {  	[sflag:s26] =	ssyncset.done $0x0  }
0x20: {  	[sflag:s26] =	ssyncadd.s32 $0xFFFFCE00  }
0x21: {  	_ =	swait.ge [sflag:s30], $0x3200  }
0x22: {  	s1 =	sadd.s32 $0x1, s1;
	[sflag:s30] =	ssyncset.done $0x0  }
0x23: {  	p0 =	sne.s32 s1, s10;
	[sflag:s30] =	ssyncadd.s32 $0xFFFFCE00  }
.Ltmp1:
0x24: {  	[bflag:$0x0] =	sbarrier.arrive $0xFFFF;
	(pc) =	sbr.rel @!p0 .LBB2_5-.Ltmp1, $4  }
0x25: {  	[hbm:s9], [sflag:s6] =	dma.local [spmem:s11], $0x1400  }
0x26: {  	_ =	swait.ge [sflag:s12], $0x1400  }
0x27: {  	[sflag:s12] =	ssyncset.done $0x0  }
0x28: {  	[sflag:s12] =	ssyncadd.s32 $0xFFFFEC00  }
.LBB2_1:
0x29: {  	s5 =	rddreg [dreg:$0x3]  }
0x2a: {  	[spmem:s11], [sflag:s6] =	dma.local [hbm:s5], $0x1400  }
0x2b: {  	_ =	swait.ge [sflag:s12], $0x1400  }
0x2c: {  	[sflag:s12] =	ssyncset.done $0x0  }
0x2d: {  	s22 =	rddreg [dreg:$0x4];
	[sflag:s12] =	ssyncadd.s32 $0xFFFFEC00  }
0x2e: {  	[tilespmem:s3], [sflag:$0xB] =	stream.linear.gather [hbm4b:s22+s3], $0x2710, $0x38;
	[tilespmem:$0x1E820] =	vst v63  }
0x2f: {  	_ =	swait.ge [sflag:s12], $0x2710  }
0x30: {  	[sflag:s12] =	ssyncset.done $0x0  }
0x31: {  	[sflag:s12] =	ssyncadd.s32 $0xFFFFD8F0  }
0x32: {  	[tilespmem:s13], [sflag:$0xB] =	stream.linear.gather [hbm4b:s8+s3], $0x2710, $0x38;
	[tilespmem:$0x1E820] =	vst v63  }
0x33: {  	_ =	swait.ge [sflag:s12], $0x2710  }
0x34: {  	[sflag:s12] =	ssyncset.done $0x0  }
0x35: {  	[sflag:s12] =	ssyncadd.s32 $0xFFFFD8F0  }
0x36: {  	[bflag:$0x0] =	sbarrier.arrive $0xFFFF  }
0x37: {  	[tilespmem:s15], [sflag:$0x1] =	stream.indirect.gather [hbm4b:s4+s14], $0x40, s3, s14, $0xb8;
	[tilespmem:$0x1E820] =	vst v63  }
0x38: {  	_ = 	snop  }
0x39: {  	[tilespmem:s16], [sflag:$0x2] =	stream.indirect.gather [hbm4b:s4+s14], $0x40, s14, s14, $0xb8;
	[tilespmem:$0x1E820] =	vst v63  }
0x3a: {  	_ =	swait.ge [sflag:s17], $0x3200  }
0x3b: {  	[sflag:s17] =	ssyncset.done $0x0  }
0x3c: {  	[sflag:s17] =	ssyncadd.s32 $0xFFFFCE00  }
0x3d: {  	[spmem:s2] =	stream.indirect.scatter.add.f32 [tilespmem:s15], [sflag:$0x6], $0x40, s13, s14, $0xb8;
	[tilespmem:$0x1E820] =	vst v63  }
0x3e: {  	s7 =	simm.s32 $0x190  }
0x3f: {  	[tilespmem:s19], [sflag:$0x3] =	stream.indirect.gather [hbm4b:s4+s14], $0x40, s7, s14, $0xb8;
	[tilespmem:$0x1E820] =	vst v63  }
0x40: {  	_ =	swait.ge [sflag:s20], $0x3200  }
0x41: {  	[sflag:s20] =	ssyncset.done $0x0  }
0x42: {  	s18 =	simm.s32 $0x27D8;
	[sflag:s20] =	ssyncadd.s32 $0xFFFFCE00  }
0x43: {  	[spmem:s2] =	stream.indirect.scatter.add.f32 [tilespmem:s16], [sflag:$0x7], $0x40, s18, s14, $0xb8;
	[tilespmem:$0x1E820] =	vst v63  }
0x44: {  	s22 =	simm.s32 $0x258  }
0x45: {  	[tilespmem:s23], [sflag:$0x4] =	stream.indirect.gather [hbm4b:s4+s14], $0x40, s22, s14, $0xb8;
	[tilespmem:$0x1E820] =	vst v63  }
0x46: {  	_ =	swait.ge [sflag:s24], $0x3200  }
0x47: {  	[sflag:s24] =	ssyncset.done $0x0  }
0x48: {  	s7 =	simm.s32 $0x28A0;
	[sflag:s24] =	ssyncadd.s32 $0xFFFFCE00  }
0x49: {  	[spmem:s2] =	stream.indirect.scatter.add.f32 [tilespmem:s19], [sflag:$0x8], $0x40, s7, s14, $0xb8;
	[tilespmem:$0x1E820] =	vst v63  }
0x4a: {  	s18 =	simm.s32 $0x320  }
0x4b: {  	[tilespmem:s28], [sflag:$0x5] =	stream.indirect.gather [hbm4b:s4+s14], $0x40, s18, s14, $0xb8;
	[tilespmem:$0x1E820] =	vst v63  }
0x4c: {  	_ =	swait.ge [sflag:s29], $0x3200  }
0x4d: {  	[sflag:s29] =	ssyncset.done $0x0  }
0x4e: {  	s22 =	simm.s32 $0x2968;
	[sflag:s29] =	ssyncadd.s32 $0xFFFFCE00  }
0x4f: {  	[spmem:s2] =	stream.indirect.scatter.add.f32 [tilespmem:s23], [sflag:$0x9], $0x40, s22, s14, $0xb8;
	[tilespmem:$0x1E820] =	vst v63  }
0x50: {  	_ =	swait.ge [sflag:s31], $0x3200  }
0x51: {  	[sflag:s31] =	ssyncset.done $0x0  }
0x52: {  	s7 =	simm.s32 $0x3E8;
	[sflag:s31] =	ssyncadd.s32 $0xFFFFCE00  }
0x53: {  	[tilespmem:s15], [sflag:$0x1] =	stream.indirect.gather [hbm4b:s4+s14], $0x40, s7, s14, $0xb8;
	[tilespmem:$0x1E820] =	vst v63  }
0x54: {  	_ =	swait.ge [sflag:s0], $0x3200  }
0x55: {  	[sflag:s0] =	ssyncset.done $0x0  }
0x56: {  	s18 =	simm.s32 $0x2A30;
	[sflag:s0] =	ssyncadd.s32 $0xFFFFCE00  }
0x57: {  	[spmem:s2] =	stream.indirect.scatter.add.f32 [tilespmem:s28], [sflag:$0xA], $0x40, s18, s14, $0xb8;
	[tilespmem:$0x1E820] =	vst v63  }
0x58: {  	_ =	swait.ge [sflag:s21], $0x3200  }
0x59: {  	[sflag:s21] =	ssyncset.done $0x0  }
0x5a: {  	s22 =	simm.s32 $0x4B0;
	s18 =	simm.s32 $0x0;
	[sflag:s21] =	ssyncadd.s32 $0xFFFFCE00  }
0x5b: {  	[tilespmem:s16], [sflag:$0x2] =	stream.indirect.gather [hbm4b:s4+s14], $0x40, s22, s14, $0xb8;
	[tilespmem:$0x1E820] =	vst v63  }
.LBB2_2:
0x5c: {  	_ =	swait.ge [sflag:s17], $0x3200  }
0x5d: {  	s22 =	sshra.s32 s18, $0x2;
	[sflag:s17] =	ssyncset.done $0x0  }
0x5e: {  	s5 =	sadd.s32 $0x2AF8, s22;
	[sflag:s17] =	ssyncadd.s32 $0xFFFFCE00  }
0x5f: {  	[spmem:s2] =	stream.indirect.scatter.add.f32 [tilespmem:s15], [sflag:$0x6], $0x40, s5, s14, $0xb8;
	[tilespmem:$0x1E820] =	vst v63  }
0x60: {  	_ =	swait.ge [sflag:s25], $0x3200  }
0x61: {  	[sflag:s25] =	ssyncset.done $0x0  }
0x62: {  	s7 =	sadd.s32 $0x578, s22;
	[sflag:s25] =	ssyncadd.s32 $0xFFFFCE00  }
0x63: {  	[tilespmem:s19], [sflag:$0x3] =	stream.indirect.gather [hbm4b:s4+s14], $0x40, s7, s14, $0xb8;
	[tilespmem:$0x1E820] =	vst v63  }
0x64: {  	_ =	swait.ge [sflag:s20], $0x3200  }
0x65: {  	[sflag:s20] =	ssyncset.done $0x0  }
0x66: {  	s7 =	sadd.s32 $0x2BC0, s22;
	[sflag:s20] =	ssyncadd.s32 $0xFFFFCE00  }
0x67: {  	[spmem:s2] =	stream.indirect.scatter.add.f32 [tilespmem:s16], [sflag:$0x7], $0x40, s7, s14, $0xb8;
	[tilespmem:$0x1E820] =	vst v63  }
0x68: {  	_ =	swait.ge [sflag:s26], $0x3200  }
0x69: {  	[sflag:s26] =	ssyncset.done $0x0  }
0x6a: {  	s7 =	sadd.s32 $0x640, s22;
	[sflag:s26] =	ssyncadd.s32 $0xFFFFCE00  }
0x6b: {  	[tilespmem:s23], [sflag:$0x4] =	stream.indirect.gather [hbm4b:s4+s14], $0x40, s7, s14, $0xb8;
	[tilespmem:$0x1E820] =	vst v63  }
0x6c: {  	_ =	swait.ge [sflag:s24], $0x3200  }
0x6d: {  	[sflag:s24] =	ssyncset.done $0x0  }
0x6e: {  	s7 =	sadd.s32 $0x2C88, s22;
	[sflag:s24] =	ssyncadd.s32 $0xFFFFCE00  }
0x6f: {  	[spmem:s2] =	stream.indirect.scatter.add.f32 [tilespmem:s19], [sflag:$0x8], $0x40, s7, s14, $0xb8;
	[tilespmem:$0x1E820] =	vst v63  }
0x70: {  	_ =	swait.ge [sflag:s30], $0x3200  }
0x71: {  	[sflag:s30] =	ssyncset.done $0x0  }
0x72: {  	s7 =	sadd.s32 $0x708, s22;
	[sflag:s30] =	ssyncadd.s32 $0xFFFFCE00  }
0x73: {  	[tilespmem:s28], [sflag:$0x5] =	stream.indirect.gather [hbm4b:s4+s14], $0x40, s7, s14, $0xb8;
	[tilespmem:$0x1E820] =	vst v63  }
0x74: {  	_ =	swait.ge [sflag:s29], $0x3200  }
0x75: {  	p0 =	seq.s32 s18, $0x7D00;
	[sflag:s29] =	ssyncset.done $0x0  }
.Ltmp2:
0x76: {  	s7 =	sadd.s32 $0x2D50, s22;
	[sflag:s29] =	ssyncadd.s32 $0xFFFFCE00;
	(pc) =	sbr.rel @p0 .LBB2_4-.Ltmp2, $4  }
0x77: {  	[spmem:s2] =	stream.indirect.scatter.add.f32 [tilespmem:s23], [sflag:$0x9], $0x40, s7, s14, $0xb8;
	[tilespmem:$0x1E820] =	vst v63  }
0x78: {  	_ =	swait.ge [sflag:s31], $0x3200  }
0x79: {  	[sflag:s31] =	ssyncset.done $0x0  }
0x7a: {  	s5 =	sadd.s32 $0x2E18, s22;
	[sflag:s31] =	ssyncadd.s32 $0xFFFFCE00  }
0x7b: {  	s7 =	sadd.s32 $0x7D0, s22  }
0x7c: {  	[tilespmem:s15], [sflag:$0x1] =	stream.indirect.gather [hbm4b:s4+s14], $0x40, s7, s14, $0xb8;
	[tilespmem:$0x1E820] =	vst v63  }
0x7d: {  	_ =	swait.ge [sflag:s0], $0x3200  }
0x7e: {  	[sflag:s0] =	ssyncset.done $0x0  }
0x7f: {  	[sflag:s0] =	ssyncadd.s32 $0xFFFFCE00  }
0x80: {  	[spmem:s2] =	stream.indirect.scatter.add.f32 [tilespmem:s28], [sflag:$0xA], $0x40, s5, s14, $0xb8;
	[tilespmem:$0x1E820] =	vst v63  }
.Ltmp3:
0x81: {  	_ = 	snop;
	(pc) =	sbr.rel .LBB2_2-.Ltmp3, $4  }
0x82: {  	_ =	swait.ge [sflag:s21], $0x3200  }
0x83: {  	[sflag:s21] =	ssyncset.done $0x0  }
0x84: {  	s22 =	sadd.s32 $0x898, s22;
	s18 =	sadd.s32 $0xFA0, s18;
	[sflag:s21] =	ssyncadd.s32 $0xFFFFCE00  }
0x85: {  	[tilespmem:s16], [sflag:$0x2] =	stream.indirect.gather [hbm4b:s4+s14], $0x40, s22, s14, $0xb8;
	[tilespmem:$0x1E820] =	vst v63  }
.LBB2_5:
0x86: {  	_ =	sfence.sel $0x180000  }
0x87: {  	[bflag:$0x0] =	sbarrier.arrive $0xFFFF  }
0x88: {  	_ =	strace $0x90000047  }
0x89: {  	s0 =	stileid.u32;
	[bflag:$0x2] =	sbarrier.arrive $0xFFFF  }
0x8a: {  	p0 =	sne.s32 s0, $0x0;
	s0 =	rddreg [dreg:$0x2]  }
0x8b: {  	s0 =	sadd.s32 @!p0 $0x100000, s0  }
0x8c: {  	[sflag:s0] =	ssyncadd.tile.s32 @!p0 $0x1;
	_ =	shalt  }
.Lfunc_end2:
_tile_overlayer_lowered:
.L_overlay_start_2:
0x8d: {  	(tag) =	ssettag $0x2  }
0x8e: {  	s0 =	rddreg [dreg:$0x0];
	s2 =	stileid.u32  }
0x8f: {  	s1 =	rddreg [dreg:$0x1];
	p0 =	sne.s32 s2, $0x0  }
0x90: {  	s3 =	rddreg [dreg:$0x2];
	[bflag:$0x3] =	sbarrier.arrive $0xFFFF;
	s2 =	simm.s32 @!p0 $0x1C0B  }
0x91: {  	[timem:s3], [sflag:s2] =	dma.local @!p0 [hbm:s0], s1  }
0x92: {  	s0 =	simm.s32 @!p0 $0xB  }
0x93: {  	_ =	swait.ge @!p0 [sflag:s0], s1  }
0x94: {  	s1 =	ssub.s32 @!p0 $0x0, s1;
	[sflag:s0] =	ssyncset.done @!p0 $0x0  }
0x95: {  	[sflag:s0] =	ssyncadd.s32 @!p0 s1  }
0x96: {  	[bflag:$0x3] =	sbarrier.arrive $0xFFFF  }
0x97: {  	_ =	shalt  }

</sc_bundles>
